<compile_context>
chip_gen: v7x
topology: tpu7x:2x2x1
jax: 0.10.2.dev20260603
libtpu: 0.0.44.dev20260713+nightly
codegen_flags: <defaults>
</compile_context>

<pallas_src>
import functools

import jax
import jax.numpy as jnp
from jax import lax
from jax.experimental import pallas as pl
from jax.experimental.pallas import tpu as pltpu
from jax.experimental.pallas import tpu_sc as plsc

L = 2048
B = 64
V = 11
F = 16
E = L * 16
BV = B * V
BF = B * F

_NCOL = 4
_CW = BV // _NCOL
_N_TILES = 16
_ROWS_PER_TILE = L // _N_TILES
_EDGES_PER_TILE = E // _N_TILES
_CHUNK = 128
_N_CHUNKS = _EDGES_PER_TILE // _CHUNK


def _sc_body(x0, x1, x2, x3, srcs_hbm, dsts_hbm, zeros_hbm, o0, o1, o2, o3,
             src_v, dst_v, rows_v, acc_sh, sem):
    xs = (x0, x1, x2, x3)
    outs = (o0, o1, o2, o3)
    c = lax.axis_index("c")
    s = lax.axis_index("s")
    stripe = s * _ROWS_PER_TILE
    ebase = c * E + s * _EDGES_PER_TILE

    for p in range(_NCOL):
        pltpu.sync_copy(zeros_hbm, rows_v)
        pltpu.sync_copy(rows_v, acc_sh.at[pl.ds(stripe, _ROWS_PER_TILE)])
        plsc.subcore_barrier()

        def step(j, carry):
            off = ebase + j * _CHUNK
            pltpu.sync_copy(srcs_hbm.at[pl.ds(off, _CHUNK)], src_v)
            pltpu.sync_copy(dsts_hbm.at[pl.ds(off, _CHUNK)], dst_v)
            pltpu.async_copy(xs[p].at[src_v], rows_v, sem).wait()
            pltpu.sync_copy(rows_v, acc_sh.at[dst_v], add=True)
            return carry

        lax.fori_loop(0, _N_CHUNKS, step, 0)
        plsc.subcore_barrier()

        pltpu.sync_copy(acc_sh.at[pl.ds(stripe, _ROWS_PER_TILE)], rows_v)
        pltpu.sync_copy(rows_v, outs[p].at[pl.ds(c * L + stripe, _ROWS_PER_TILE)])


def _sc_segment_sum(xcols, srcs, dsts, zeros):
    mesh = plsc.VectorSubcoreMesh(core_axis_name="c", subcore_axis_name="s")
    out_t = tuple(jax.ShapeDtypeStruct((2 * L, _CW), jnp.float32)
                  for _ in range(_NCOL))
    kern = functools.partial(
        pl.kernel,
        mesh=mesh,
        out_type=out_t,
        scratch_types=[
            pltpu.VMEM((_CHUNK,), jnp.int32),
            pltpu.VMEM((_CHUNK,), jnp.int32),
            pltpu.VMEM((_ROWS_PER_TILE, _CW), jnp.float32),
            pltpu.VMEM_SHARED((L, _CW), jnp.float32),
            pltpu.SemaphoreType.DMA,
        ],
        compiler_params=pltpu.CompilerParams(use_tc_tiling_on_sc=False),
    )(_sc_body)
    return kern(*xcols, srcs, dsts, zeros)


def _tc_body(agg_ref, wbig_ref, btil_ref, wsel_ref, expand_ref, cw_ref, bd_ref,
             out_ref, num_acc, den_acc):
    c = pl.program_id(0)
    i = pl.program_id(1)

    @pl.when(i == 0)
    def _init():
        num_acc[pl.ds(c, 1), :] = jnp.zeros((1, BF), jnp.float32)
        den_acc[pl.ds(c, 1), :] = jnp.zeros((1, BF), jnp.float32)

    agg = agg_ref[...]
    h = jnp.tanh(
        jnp.dot(agg, wbig_ref[0], preferred_element_type=jnp.float32)
        + btil_ref[0]
    )
    t = jnp.dot(h, wsel_ref[0], preferred_element_type=jnp.float32)
    sc = jnp.exp(jnp.tanh(t))
    s_exp = jnp.dot(sc, expand_ref[...], preferred_element_type=jnp.float32)
    num_acc[pl.ds(c, 1), :] += jnp.sum(s_exp * h, axis=0, keepdims=True)
    den_acc[pl.ds(c, 1), :] += jnp.sum(s_exp, axis=0, keepdims=True)

    @pl.when((c == 1) & (i == pl.num_programs(1) - 1))
    def _fini():
        rep = num_acc[...] / den_acc[...]
        cw = cw_ref[...]
        o = (jnp.dot(rep[0:1, :], cw[0], preferred_element_type=jnp.float32)
             + jnp.dot(rep[1:2, :], cw[1], preferred_element_type=jnp.float32)
             + bd_ref[...])
        out_ref[...] = o


def _tc_fused(agg, wbig, btil, wsel, expand, cw, bd, interpret=False):
    n_blk = 8
    rows = (2 * L) // (2 * n_blk)
    return pl.pallas_call(
        _tc_body,
        grid=(2, n_blk),
        in_specs=[
            pl.BlockSpec((rows, BV), lambda c, i: (c * n_blk + i, 0)),
            pl.BlockSpec((1, BV, BF), lambda c, i: (c, 0, 0)),
            pl.BlockSpec((1, 1, BF), lambda c, i: (c, 0, 0)),
            pl.BlockSpec((1, BF, B), lambda c, i: (c, 0, 0)),
            pl.BlockSpec((B, BF), lambda c, i: (0, 0)),
            pl.BlockSpec((2, BF, B), lambda c, i: (0, 0, 0)),
            pl.BlockSpec((1, 1), lambda c, i: (0, 0)),
        ],
        out_specs=pl.BlockSpec((1, B), lambda c, i: (0, 0)),
        out_shape=jax.ShapeDtypeStruct((1, B), jnp.float32),
        scratch_shapes=[
            pltpu.VMEM((2, BF), jnp.float32),
            pltpu.VMEM((2, BF), jnp.float32),
        ],
        interpret=interpret,
    )(agg, wbig, btil, wsel, expand, cw, bd)


def kernel(x, W_int, b_int, W_nh, b_nh, att_w_int, att_w_nh, W_dense, b_dense,
           src_int, dst_int, src_nh, dst_nh):
    x2 = x.reshape(L, BV)
    xcols = tuple(x2[:, p * _CW:(p + 1) * _CW] for p in range(_NCOL))
    srcs = jnp.concatenate([src_int, src_nh]).astype(jnp.int32)
    dsts = jnp.concatenate([dst_int, dst_nh]).astype(jnp.int32)
    zeros = jnp.zeros((_ROWS_PER_TILE, _CW), jnp.float32)

    aggs = _sc_segment_sum(xcols, srcs, dsts, zeros)
    agg = jnp.concatenate(aggs, axis=1)

    eye = jnp.eye(B, dtype=jnp.float32)
    wbig = jnp.stack([jnp.kron(eye, W_int), jnp.kron(eye, W_nh)])
    btil = jnp.stack([jnp.tile(b_int, B), jnp.tile(b_nh, B)]).reshape(2, 1, BF)
    wsel = jnp.stack([jnp.kron(eye, att_w_int.reshape(F, 1)),
                      jnp.kron(eye, att_w_nh.reshape(F, 1))])
    expand = jnp.kron(eye, jnp.ones((1, F), jnp.float32))
    cw = jnp.stack([jnp.kron(eye, W_dense[:F].astype(jnp.float32)),
                    jnp.kron(eye, W_dense[F:].astype(jnp.float32))])
    bd = b_dense.reshape(1, 1)

    out = _tc_fused(agg, wbig, btil, wsel, expand, cw, bd)
    return out.reshape(B)

# --- scband reference (transcript-rebuilt; emitter-appended) ---
"""Pipeline reference for scband-gnn8-27410481283377 (READ-ONLY COPY).

The authoritative reference and input builder live on the scoring server;
editing this copy changes nothing except your own understanding.
"""

import jax, jax.numpy as jnp
import numpy as np

L = 2048   # nodes (sequence) per graph
B = 64     # batch of graphs
V = 11     # v_feats
F = 16     # filters / attention_size
DEG = 16
E = L * DEG


def setup_inputs(seed: int = 0) -> dict:
    key = jax.random.key(seed)
    ks = jax.random.split(key, 12)
    x = jax.random.normal(ks[0], (L, B, V), dtype=jnp.float32)
    # dual graph structure (interaction graph + neighborhood graph), constants
    src_int = jax.random.randint(ks[1], (E,), 0, L, dtype=jnp.int64)
    dst_int = jax.random.randint(ks[2], (E,), 0, L, dtype=jnp.int64)
    src_nh = jax.random.randint(ks[3], (E,), 0, L, dtype=jnp.int64)
    dst_nh = jax.random.randint(ks[4], (E,), 0, L, dtype=jnp.int64)
    # DGCN parameters (two graph-conv branches, v_feats -> filters)
    W_int = jax.random.normal(ks[5], (V, F), dtype=jnp.float32) * (1.0 / np.sqrt(V))
    b_int = jnp.zeros((F,), dtype=jnp.float32)
    W_nh = jax.random.normal(ks[6], (V, F), dtype=jnp.float32) * (1.0 / np.sqrt(V))
    b_nh = jnp.zeros((F,), dtype=jnp.float32)
    # SelfAttention parameters (attention_size=16, batch_first=False, tanh)
    att_w_int = jax.random.normal(ks[7], (F,), dtype=jnp.float32) * 0.1
    att_w_nh = jax.random.normal(ks[8], (F,), dtype=jnp.float32) * 0.1
    # Dense(32 -> 1, linear)
    W_dense = jax.random.normal(ks[9], (2 * F, 1), dtype=jnp.float32) * (1.0 / np.sqrt(2 * F))
    b_dense = jnp.zeros((1,), dtype=jnp.float32)
    return {
        'x': x,
        'W_int': W_int, 'b_int': b_int,
        'W_nh': W_nh, 'b_nh': b_nh,
        'att_w_int': att_w_int, 'att_w_nh': att_w_nh,
        'W_dense': W_dense, 'b_dense': b_dense,
        'src_int': src_int, 'dst_int': dst_int,
        'src_nh': src_nh, 'dst_nh': dst_nh,
    }


def reference(x, W_int, b_int, W_nh, b_nh, att_w_int, att_w_nh, W_dense, b_dense,
              src_int, dst_int, src_nh, dst_nh):
    # --- DGCN: dual graph conv (message passing via gather + scatter-add) ---
    def gconv(src, dst, W, b):
        msgs = x[src]                                        # gather: (E, B, V)
        agg = jax.ops.segment_sum(msgs, dst, num_segments=L)  # scatter-add: (L, B, V)
        return jnp.tanh(agg @ W + b)                          # (L, B, F)

    h_int = gconv(src_int, dst_int, W_int, b_int)
    h_nh = gconv(src_nh, dst_nh, W_nh, b_nh)
    # dropout=0.1 -> identity in eval mode

    # --- SelfAttention (batch_first=False, non_linearity='tanh') ---
    def self_att(h, w):
        hb = jnp.transpose(h, (1, 0, 2))                      # (B, L, F)
        scores = jax.nn.softmax(jnp.tanh(hb @ w), axis=-1)    # (B, L)
        rep = jnp.sum(hb * scores[:, :, None], axis=1)        # (B, F)
        return rep, scores

    r_int, _ = self_att(h_int, att_w_int)
    r_nh, _ = self_att(h_nh, att_w_nh)

    # --- cat + Dense(32 -> 1, linear) + squeeze ---
    feats = jnp.concatenate([r_int, r_nh], axis=1)            # (B, 32)
    out = feats @ W_dense + b_dense                           # (B, 1)
    return jnp.squeeze(out, axis=1)                           # (B,)

if __name__ == "__main__":
    import jax
    _d = setup_inputs()
    print(jax.jit(kernel)(*tuple(_d.values())))

</pallas_src>

<mosaic_0001>
#map = affine_map<(d0, d1) -> (0, 0)>
#map1 = affine_map<(d0, d1) -> (0)>
module attributes {stable_mosaic.version = 14 : i64} {
  func.func @_sc_body(%arg0: i32, %arg1: i32, %arg2: memref<2048x176xf32, #tpu.memory_space<hbm>>, %arg3: memref<2048x176xf32, #tpu.memory_space<hbm>>, %arg4: memref<2048x176xf32, #tpu.memory_space<hbm>>, %arg5: memref<2048x176xf32, #tpu.memory_space<hbm>>, %arg6: memref<65536xi32, #tpu.memory_space<hbm>>, %arg7: memref<65536xi32, #tpu.memory_space<hbm>>, %arg8: memref<128x176xf32, #tpu.memory_space<hbm>>, %arg9: memref<4096x176xf32, #tpu.memory_space<hbm>>, %arg10: memref<4096x176xf32, #tpu.memory_space<hbm>>, %arg11: memref<4096x176xf32, #tpu.memory_space<hbm>>, %arg12: memref<4096x176xf32, #tpu.memory_space<hbm>>, %arg13: memref<128xi32, #tpu.memory_space<vmem>>, %arg14: memref<128xi32, #tpu.memory_space<vmem>>, %arg15: memref<128x176xf32, #tpu.memory_space<vmem>>, %arg16: memref<2048x176xf32, #tpu.memory_space<vmem_shared>>, %arg17: memref<!tpu.dma_semaphore, #tpu.memory_space<semaphore_mem>>) attributes {dimension_semantics = [#tpu.dimension_semantics<core_parallel>, #tpu.dimension_semantics<subcore_parallel>], iteration_bounds = array<i64: 2, 16>, scalar_prefetch = 0 : i64, scratch_operands = 5 : i64, tpu.core_type = #tpu.core_type<sc_vector_subcore>, window_params = [{transform_indices = #map}, {transform_indices = #map}, {transform_indices = #map}, {transform_indices = #map}, {transform_indices = #map1}, {transform_indices = #map1}, {transform_indices = #map}, {transform_indices = #map}, {transform_indices = #map}, {transform_indices = #map}, {transform_indices = #map}]} {
    %mul3A = arith.constant 128 : i32
    %mul3A_0 = arith.muli %arg1, %mul3A : i32
    %mul3A_1 = arith.constant 32768 : i32
    %mul3A_2 = arith.muli %arg0, %mul3A_1 : i32
    %mul3A_3 = arith.constant 2048 : i32
    %mul3A_4 = arith.muli %arg1, %mul3A_3 : i32
    %add3A = arith.addi %mul3A_2, %mul3A_4 : i32
    "tpu.region"() ({
      %run_scoped3A = tpu.sem_alloc : memref<!tpu.dma_semaphore, #tpu.memory_space<semaphore_mem>>
      tpu.enqueue_dma source(%arg8 : memref<128x176xf32, #tpu.memory_space<hbm>>) target(%arg15 : memref<128x176xf32, #tpu.memory_space<vmem>>) target_semaphore(%run_scoped3A : memref<!tpu.dma_semaphore, #tpu.memory_space<semaphore_mem>>)
      tpu.wait_dma2 semaphore(%run_scoped3A : memref<!tpu.dma_semaphore, #tpu.memory_space<semaphore_mem>>) src(%arg8 : memref<128x176xf32, #tpu.memory_space<hbm>>) dst(%arg15 : memref<128x176xf32, #tpu.memory_space<vmem>>)
      tpu.yield
    }) : () -> ()
    "tpu.region"() ({
      %run_scoped3A = tpu.sem_alloc : memref<!tpu.dma_semaphore, #tpu.memory_space<semaphore_mem>>
      %dma_start3A = arith.constant 0 : i32
      %dma_start3A_47 = tpu.memref_slice %arg16[%mul3A_0, %dma_start3A] : memref<2048x176xf32, #tpu.memory_space<vmem_shared>> -> memref<128x176xf32, #tpu.memory_space<vmem_shared>>
      %dma_start3A_48 = arith.constant 0 : i32
      %dma_start3A_49 = tpu.memref_slice %arg16[%mul3A_0, %dma_start3A_48] : memref<2048x176xf32, #tpu.memory_space<vmem_shared>> -> memref<128x176xf32, #tpu.memory_space<vmem_shared>>
      tpu.enqueue_dma source(%arg15 : memref<128x176xf32, #tpu.memory_space<vmem>>) target(%dma_start3A_49 : memref<128x176xf32, #tpu.memory_space<vmem_shared>>) target_semaphore(%run_scoped3A : memref<!tpu.dma_semaphore, #tpu.memory_space<semaphore_mem>>)
      %dma_wait3A = arith.constant 0 : i32
      %dma_wait3A_50 = tpu.memref_slice %arg16[%mul3A_0, %dma_wait3A] : memref<2048x176xf32, #tpu.memory_space<vmem_shared>> -> memref<128x176xf32, #tpu.memory_space<vmem_shared>>
      %dma_wait3A_51 = arith.constant 0 : i32
      %dma_wait3A_52 = tpu.memref_slice %arg16[%mul3A_0, %dma_wait3A_51] : memref<2048x176xf32, #tpu.memory_space<vmem_shared>> -> memref<128x176xf32, #tpu.memory_space<vmem_shared>>
      tpu.wait_dma2 semaphore(%run_scoped3A : memref<!tpu.dma_semaphore, #tpu.memory_space<semaphore_mem>>) src(%arg15 : memref<128x176xf32, #tpu.memory_space<vmem>>) dst(%dma_wait3A_52 : memref<128x176xf32, #tpu.memory_space<vmem_shared>>)
      tpu.yield
    }) : () -> ()
    %barrier3A = arith.constant 0 : index
    tpu.barrier barrier_id(%barrier3A)
    %scan3A = arith.constant 0 : i32
    %scan3A_5 = arith.constant 0 : i32
    %scan3A_6 = arith.constant 16 : i32
    %scan3A_7 = arith.addi %scan3A_5, %scan3A_6 : i32
    %scan3A_8 = arith.constant 1 : i32
    scf.for %scan3A_47 = %scan3A_5 to %scan3A_7 step %scan3A_8  : i32 {
      %mul3A_48 = arith.constant 128 : i32
      %mul3A_49 = arith.muli %scan3A_47, %mul3A_48 : i32
      %add3A_50 = arith.addi %add3A, %mul3A_49 : i32
      "tpu.region"() ({
        %run_scoped3A = tpu.sem_alloc : memref<!tpu.dma_semaphore, #tpu.memory_space<semaphore_mem>>
        %dma_start3A_55 = tpu.memref_slice %arg6[%add3A_50] : memref<65536xi32, #tpu.memory_space<hbm>> -> memref<128xi32, #tpu.memory_space<hbm>>
        %dma_start3A_56 = tpu.memref_slice %arg6[%add3A_50] : memref<65536xi32, #tpu.memory_space<hbm>> -> memref<128xi32, #tpu.memory_space<hbm>>
        tpu.enqueue_dma source(%dma_start3A_56 : memref<128xi32, #tpu.memory_space<hbm>>) target(%arg13 : memref<128xi32, #tpu.memory_space<vmem>>) target_semaphore(%run_scoped3A : memref<!tpu.dma_semaphore, #tpu.memory_space<semaphore_mem>>)
        %dma_wait3A_57 = tpu.memref_slice %arg6[%add3A_50] : memref<65536xi32, #tpu.memory_space<hbm>> -> memref<128xi32, #tpu.memory_space<hbm>>
        %dma_wait3A_58 = tpu.memref_slice %arg6[%add3A_50] : memref<65536xi32, #tpu.memory_space<hbm>> -> memref<128xi32, #tpu.memory_space<hbm>>
        tpu.wait_dma2 semaphore(%run_scoped3A : memref<!tpu.dma_semaphore, #tpu.memory_space<semaphore_mem>>) src(%dma_wait3A_58 : memref<128xi32, #tpu.memory_space<hbm>>) dst(%arg13 : memref<128xi32, #tpu.memory_space<vmem>>)
        tpu.yield
      }) : () -> ()
      "tpu.region"() ({
        %run_scoped3A = tpu.sem_alloc : memref<!tpu.dma_semaphore, #tpu.memory_space<semaphore_mem>>
        %dma_start3A_55 = tpu.memref_slice %arg7[%add3A_50] : memref<65536xi32, #tpu.memory_space<hbm>> -> memref<128xi32, #tpu.memory_space<hbm>>
        %dma_start3A_56 = tpu.memref_slice %arg7[%add3A_50] : memref<65536xi32, #tpu.memory_space<hbm>> -> memref<128xi32, #tpu.memory_space<hbm>>
        tpu.enqueue_dma source(%dma_start3A_56 : memref<128xi32, #tpu.memory_space<hbm>>) target(%arg14 : memref<128xi32, #tpu.memory_space<vmem>>) target_semaphore(%run_scoped3A : memref<!tpu.dma_semaphore, #tpu.memory_space<semaphore_mem>>)
        %dma_wait3A_57 = tpu.memref_slice %arg7[%add3A_50] : memref<65536xi32, #tpu.memory_space<hbm>> -> memref<128xi32, #tpu.memory_space<hbm>>
        %dma_wait3A_58 = tpu.memref_slice %arg7[%add3A_50] : memref<65536xi32, #tpu.memory_space<hbm>> -> memref<128xi32, #tpu.memory_space<hbm>>
        tpu.wait_dma2 semaphore(%run_scoped3A : memref<!tpu.dma_semaphore, #tpu.memory_space<semaphore_mem>>) src(%dma_wait3A_58 : memref<128xi32, #tpu.memory_space<hbm>>) dst(%arg14 : memref<128xi32, #tpu.memory_space<vmem>>)
        tpu.yield
      }) : () -> ()
      %dma_start3A = arith.constant 0 : i32
      %dma_start3A_51 = arith.constant 0 : i32
      %dma_start3A_52 = tpu.memref_slice %arg2[%dma_start3A, %dma_start3A_51] : memref<2048x176xf32, #tpu.memory_space<hbm>> -> memref<2048x176xf32, #tpu.memory_space<hbm>>
      tpu.enqueue_indirect_dma source(%dma_start3A_52 : memref<2048x176xf32, #tpu.memory_space<hbm>>) target(%arg15 : memref<128x176xf32, #tpu.memory_space<vmem>>) offsets(%arg13 : memref<128xi32, #tpu.memory_space<vmem>>) semaphore(%arg17 : memref<!tpu.dma_semaphore, #tpu.memory_space<semaphore_mem>>)
      %dma_wait3A = arith.constant 0 : i32
      %dma_wait3A_53 = arith.constant 0 : i32
      %dma_wait3A_54 = tpu.memref_slice %arg2[%dma_wait3A, %dma_wait3A_53] : memref<2048x176xf32, #tpu.memory_space<hbm>> -> memref<2048x176xf32, #tpu.memory_space<hbm>>
      tpu.wait_indirect_dma semaphore(%arg17 : memref<!tpu.dma_semaphore, #tpu.memory_space<semaphore_mem>>) src(%dma_wait3A_54 : memref<2048x176xf32, #tpu.memory_space<hbm>>) dst(%arg15 : memref<128x176xf32, #tpu.memory_space<vmem>>)
      "tpu.region"() ({
        %run_scoped3A = tpu.sem_alloc : memref<!tpu.dma_semaphore, #tpu.memory_space<semaphore_mem>>
        %dma_start3A_55 = arith.constant 0 : i32
        %dma_start3A_56 = arith.constant 0 : i32
        %dma_start3A_57 = tpu.memref_slice %arg16[%dma_start3A_55, %dma_start3A_56] : memref<2048x176xf32, #tpu.memory_space<vmem_shared>> -> memref<2048x176xf32, #tpu.memory_space<vmem_shared>>
        tpu.enqueue_indirect_dma source(%arg15 : memref<128x176xf32, #tpu.memory_space<vmem>>) target(%dma_start3A_57 : memref<2048x176xf32, #tpu.memory_space<vmem_shared>>) offsets(%arg14 : memref<128xi32, #tpu.memory_space<vmem>>) semaphore(%run_scoped3A : memref<!tpu.dma_semaphore, #tpu.memory_space<semaphore_mem>>) {add = true}
        %dma_wait3A_58 = arith.constant 0 : i32
        %dma_wait3A_59 = arith.constant 0 : i32
        %dma_wait3A_60 = tpu.memref_slice %arg16[%dma_wait3A_58, %dma_wait3A_59] : memref<2048x176xf32, #tpu.memory_space<vmem_shared>> -> memref<2048x176xf32, #tpu.memory_space<vmem_shared>>
        tpu.wait_indirect_dma semaphore(%run_scoped3A : memref<!tpu.dma_semaphore, #tpu.memory_space<semaphore_mem>>) src(%arg15 : memref<128x176xf32, #tpu.memory_space<vmem>>) dst(%dma_wait3A_60 : memref<2048x176xf32, #tpu.memory_space<vmem_shared>>)
        tpu.yield
      }) : () -> ()
    }
    %scan3A_9 = arith.constant 16 : i32
    %barrier3A_10 = arith.constant 0 : index
    tpu.barrier barrier_id(%barrier3A_10)
    "tpu.region"() ({
      %run_scoped3A = tpu.sem_alloc : memref<!tpu.dma_semaphore, #tpu.memory_space<semaphore_mem>>
      %dma_start3A = arith.constant 0 : i32
      %dma_start3A_47 = tpu.memref_slice %arg16[%mul3A_0, %dma_start3A] : memref<2048x176xf32, #tpu.memory_space<vmem_shared>> -> memref<128x176xf32, #tpu.memory_space<vmem_shared>>
      %dma_start3A_48 = arith.constant 0 : i32
      %dma_start3A_49 = tpu.memref_slice %arg16[%mul3A_0, %dma_start3A_48] : memref<2048x176xf32, #tpu.memory_space<vmem_shared>> -> memref<128x176xf32, #tpu.memory_space<vmem_shared>>
      tpu.enqueue_dma source(%dma_start3A_49 : memref<128x176xf32, #tpu.memory_space<vmem_shared>>) target(%arg15 : memref<128x176xf32, #tpu.memory_space<vmem>>) target_semaphore(%run_scoped3A : memref<!tpu.dma_semaphore, #tpu.memory_space<semaphore_mem>>)
      %dma_wait3A = arith.constant 0 : i32
      %dma_wait3A_50 = tpu.memref_slice %arg16[%mul3A_0, %dma_wait3A] : memref<2048x176xf32, #tpu.memory_space<vmem_shared>> -> memref<128x176xf32, #tpu.memory_space<vmem_shared>>
      %dma_wait3A_51 = arith.constant 0 : i32
      %dma_wait3A_52 = tpu.memref_slice %arg16[%mul3A_0, %dma_wait3A_51] : memref<2048x176xf32, #tpu.memory_space<vmem_shared>> -> memref<128x176xf32, #tpu.memory_space<vmem_shared>>
      tpu.wait_dma2 semaphore(%run_scoped3A : memref<!tpu.dma_semaphore, #tpu.memory_space<semaphore_mem>>) src(%dma_wait3A_52 : memref<128x176xf32, #tpu.memory_space<vmem_shared>>) dst(%arg15 : memref<128x176xf32, #tpu.memory_space<vmem>>)
      tpu.yield
    }) : () -> ()
    %mul3A_11 = arith.constant 2048 : i32
    %mul3A_12 = arith.muli %arg0, %mul3A_11 : i32
    %add3A_13 = arith.addi %mul3A_12, %mul3A_0 : i32
    "tpu.region"() ({
      %run_scoped3A = tpu.sem_alloc : memref<!tpu.dma_semaphore, #tpu.memory_space<semaphore_mem>>
      %dma_start3A = arith.constant 0 : i32
      %dma_start3A_47 = tpu.memref_slice %arg9[%add3A_13, %dma_start3A] : memref<4096x176xf32, #tpu.memory_space<hbm>> -> memref<128x176xf32, #tpu.memory_space<hbm>>
      %dma_start3A_48 = arith.constant 0 : i32
      %dma_start3A_49 = tpu.memref_slice %arg9[%add3A_13, %dma_start3A_48] : memref<4096x176xf32, #tpu.memory_space<hbm>> -> memref<128x176xf32, #tpu.memory_space<hbm>>
      tpu.enqueue_dma source(%arg15 : memref<128x176xf32, #tpu.memory_space<vmem>>) target(%dma_start3A_49 : memref<128x176xf32, #tpu.memory_space<hbm>>) target_semaphore(%run_scoped3A : memref<!tpu.dma_semaphore, #tpu.memory_space<semaphore_mem>>)
      %dma_wait3A = arith.constant 0 : i32
      %dma_wait3A_50 = tpu.memref_slice %arg9[%add3A_13, %dma_wait3A] : memref<4096x176xf32, #tpu.memory_space<hbm>> -> memref<128x176xf32, #tpu.memory_space<hbm>>
      %dma_wait3A_51 = arith.constant 0 : i32
      %dma_wait3A_52 = tpu.memref_slice %arg9[%add3A_13, %dma_wait3A_51] : memref<4096x176xf32, #tpu.memory_space<hbm>> -> memref<128x176xf32, #tpu.memory_space<hbm>>
      tpu.wait_dma2 semaphore(%run_scoped3A : memref<!tpu.dma_semaphore, #tpu.memory_space<semaphore_mem>>) src(%arg15 : memref<128x176xf32, #tpu.memory_space<vmem>>) dst(%dma_wait3A_52 : memref<128x176xf32, #tpu.memory_space<hbm>>)
      tpu.yield
    }) : () -> ()
    "tpu.region"() ({
      %run_scoped3A = tpu.sem_alloc : memref<!tpu.dma_semaphore, #tpu.memory_space<semaphore_mem>>
      tpu.enqueue_dma source(%arg8 : memref<128x176xf32, #tpu.memory_space<hbm>>) target(%arg15 : memref<128x176xf32, #tpu.memory_space<vmem>>) target_semaphore(%run_scoped3A : memref<!tpu.dma_semaphore, #tpu.memory_space<semaphore_mem>>)
      tpu.wait_dma2 semaphore(%run_scoped3A : memref<!tpu.dma_semaphore, #tpu.memory_space<semaphore_mem>>) src(%arg8 : memref<128x176xf32, #tpu.memory_space<hbm>>) dst(%arg15 : memref<128x176xf32, #tpu.memory_space<vmem>>)
      tpu.yield
    }) : () -> ()
    "tpu.region"() ({
      %run_scoped3A = tpu.sem_alloc : memref<!tpu.dma_semaphore, #tpu.memory_space<semaphore_mem>>
      %dma_start3A = arith.constant 0 : i32
      %dma_start3A_47 = tpu.memref_slice %arg16[%mul3A_0, %dma_start3A] : memref<2048x176xf32, #tpu.memory_space<vmem_shared>> -> memref<128x176xf32, #tpu.memory_space<vmem_shared>>
      %dma_start3A_48 = arith.constant 0 : i32
      %dma_start3A_49 = tpu.memref_slice %arg16[%mul3A_0, %dma_start3A_48] : memref<2048x176xf32, #tpu.memory_space<vmem_shared>> -> memref<128x176xf32, #tpu.memory_space<vmem_shared>>
      tpu.enqueue_dma source(%arg15 : memref<128x176xf32, #tpu.memory_space<vmem>>) target(%dma_start3A_49 : memref<128x176xf32, #tpu.memory_space<vmem_shared>>) target_semaphore(%run_scoped3A : memref<!tpu.dma_semaphore, #tpu.memory_space<semaphore_mem>>)
      %dma_wait3A = arith.constant 0 : i32
      %dma_wait3A_50 = tpu.memref_slice %arg16[%mul3A_0, %dma_wait3A] : memref<2048x176xf32, #tpu.memory_space<vmem_shared>> -> memref<128x176xf32, #tpu.memory_space<vmem_shared>>
      %dma_wait3A_51 = arith.constant 0 : i32
      %dma_wait3A_52 = tpu.memref_slice %arg16[%mul3A_0, %dma_wait3A_51] : memref<2048x176xf32, #tpu.memory_space<vmem_shared>> -> memref<128x176xf32, #tpu.memory_space<vmem_shared>>
      tpu.wait_dma2 semaphore(%run_scoped3A : memref<!tpu.dma_semaphore, #tpu.memory_space<semaphore_mem>>) src(%arg15 : memref<128x176xf32, #tpu.memory_space<vmem>>) dst(%dma_wait3A_52 : memref<128x176xf32, #tpu.memory_space<vmem_shared>>)
      tpu.yield
    }) : () -> ()
    %barrier3A_14 = arith.constant 0 : index
    tpu.barrier barrier_id(%barrier3A_14)
    %scan3A_15 = arith.constant 0 : i32
    %scan3A_16 = arith.constant 0 : i32
    %scan3A_17 = arith.constant 16 : i32
    %scan3A_18 = arith.addi %scan3A_16, %scan3A_17 : i32
    %scan3A_19 = arith.constant 1 : i32
    scf.for %scan3A_47 = %scan3A_16 to %scan3A_18 step %scan3A_19  : i32 {
      %mul3A_48 = arith.constant 128 : i32
      %mul3A_49 = arith.muli %scan3A_47, %mul3A_48 : i32
      %add3A_50 = arith.addi %add3A, %mul3A_49 : i32
      "tpu.region"() ({
        %run_scoped3A = tpu.sem_alloc : memref<!tpu.dma_semaphore, #tpu.memory_space<semaphore_mem>>
        %dma_start3A_55 = tpu.memref_slice %arg6[%add3A_50] : memref<65536xi32, #tpu.memory_space<hbm>> -> memref<128xi32, #tpu.memory_space<hbm>>
        %dma_start3A_56 = tpu.memref_slice %arg6[%add3A_50] : memref<65536xi32, #tpu.memory_space<hbm>> -> memref<128xi32, #tpu.memory_space<hbm>>
        tpu.enqueue_dma source(%dma_start3A_56 : memref<128xi32, #tpu.memory_space<hbm>>) target(%arg13 : memref<128xi32, #tpu.memory_space<vmem>>) target_semaphore(%run_scoped3A : memref<!tpu.dma_semaphore, #tpu.memory_space<semaphore_mem>>)
        %dma_wait3A_57 = tpu.memref_slice %arg6[%add3A_50] : memref<65536xi32, #tpu.memory_space<hbm>> -> memref<128xi32, #tpu.memory_space<hbm>>
        %dma_wait3A_58 = tpu.memref_slice %arg6[%add3A_50] : memref<65536xi32, #tpu.memory_space<hbm>> -> memref<128xi32, #tpu.memory_space<hbm>>
        tpu.wait_dma2 semaphore(%run_scoped3A : memref<!tpu.dma_semaphore, #tpu.memory_space<semaphore_mem>>) src(%dma_wait3A_58 : memref<128xi32, #tpu.memory_space<hbm>>) dst(%arg13 : memref<128xi32, #tpu.memory_space<vmem>>)
        tpu.yield
      }) : () -> ()
      "tpu.region"() ({
        %run_scoped3A = tpu.sem_alloc : memref<!tpu.dma_semaphore, #tpu.memory_space<semaphore_mem>>
        %dma_start3A_55 = tpu.memref_slice %arg7[%add3A_50] : memref<65536xi32, #tpu.memory_space<hbm>> -> memref<128xi32, #tpu.memory_space<hbm>>
        %dma_start3A_56 = tpu.memref_slice %arg7[%add3A_50] : memref<65536xi32, #tpu.memory_space<hbm>> -> memref<128xi32, #tpu.memory_space<hbm>>
        tpu.enqueue_dma source(%dma_start3A_56 : memref<128xi32, #tpu.memory_space<hbm>>) target(%arg14 : memref<128xi32, #tpu.memory_space<vmem>>) target_semaphore(%run_scoped3A : memref<!tpu.dma_semaphore, #tpu.memory_space<semaphore_mem>>)
        %dma_wait3A_57 = tpu.memref_slice %arg7[%add3A_50] : memref<65536xi32, #tpu.memory_space<hbm>> -> memref<128xi32, #tpu.memory_space<hbm>>
        %dma_wait3A_58 = tpu.memref_slice %arg7[%add3A_50] : memref<65536xi32, #tpu.memory_space<hbm>> -> memref<128xi32, #tpu.memory_space<hbm>>
        tpu.wait_dma2 semaphore(%run_scoped3A : memref<!tpu.dma_semaphore, #tpu.memory_space<semaphore_mem>>) src(%dma_wait3A_58 : memref<128xi32, #tpu.memory_space<hbm>>) dst(%arg14 : memref<128xi32, #tpu.memory_space<vmem>>)
        tpu.yield
      }) : () -> ()
      %dma_start3A = arith.constant 0 : i32
      %dma_start3A_51 = arith.constant 0 : i32
      %dma_start3A_52 = tpu.memref_slice %arg3[%dma_start3A, %dma_start3A_51] : memref<2048x176xf32, #tpu.memory_space<hbm>> -> memref<2048x176xf32, #tpu.memory_space<hbm>>
      tpu.enqueue_indirect_dma source(%dma_start3A_52 : memref<2048x176xf32, #tpu.memory_space<hbm>>) target(%arg15 : memref<128x176xf32, #tpu.memory_space<vmem>>) offsets(%arg13 : memref<128xi32, #tpu.memory_space<vmem>>) semaphore(%arg17 : memref<!tpu.dma_semaphore, #tpu.memory_space<semaphore_mem>>)
      %dma_wait3A = arith.constant 0 : i32
      %dma_wait3A_53 = arith.constant 0 : i32
      %dma_wait3A_54 = tpu.memref_slice %arg3[%dma_wait3A, %dma_wait3A_53] : memref<2048x176xf32, #tpu.memory_space<hbm>> -> memref<2048x176xf32, #tpu.memory_space<hbm>>
      tpu.wait_indirect_dma semaphore(%arg17 : memref<!tpu.dma_semaphore, #tpu.memory_space<semaphore_mem>>) src(%dma_wait3A_54 : memref<2048x176xf32, #tpu.memory_space<hbm>>) dst(%arg15 : memref<128x176xf32, #tpu.memory_space<vmem>>)
      "tpu.region"() ({
        %run_scoped3A = tpu.sem_alloc : memref<!tpu.dma_semaphore, #tpu.memory_space<semaphore_mem>>
        %dma_start3A_55 = arith.constant 0 : i32
        %dma_start3A_56 = arith.constant 0 : i32
        %dma_start3A_57 = tpu.memref_slice %arg16[%dma_start3A_55, %dma_start3A_56] : memref<2048x176xf32, #tpu.memory_space<vmem_shared>> -> memref<2048x176xf32, #tpu.memory_space<vmem_shared>>
        tpu.enqueue_indirect_dma source(%arg15 : memref<128x176xf32, #tpu.memory_space<vmem>>) target(%dma_start3A_57 : memref<2048x176xf32, #tpu.memory_space<vmem_shared>>) offsets(%arg14 : memref<128xi32, #tpu.memory_space<vmem>>) semaphore(%run_scoped3A : memref<!tpu.dma_semaphore, #tpu.memory_space<semaphore_mem>>) {add = true}
        %dma_wait3A_58 = arith.constant 0 : i32
        %dma_wait3A_59 = arith.constant 0 : i32
        %dma_wait3A_60 = tpu.memref_slice %arg16[%dma_wait3A_58, %dma_wait3A_59] : memref<2048x176xf32, #tpu.memory_space<vmem_shared>> -> memref<2048x176xf32, #tpu.memory_space<vmem_shared>>
        tpu.wait_indirect_dma semaphore(%run_scoped3A : memref<!tpu.dma_semaphore, #tpu.memory_space<semaphore_mem>>) src(%arg15 : memref<128x176xf32, #tpu.memory_space<vmem>>) dst(%dma_wait3A_60 : memref<2048x176xf32, #tpu.memory_space<vmem_shared>>)
        tpu.yield
      }) : () -> ()
    }
    %scan3A_20 = arith.constant 16 : i32
    %barrier3A_21 = arith.constant 0 : index
    tpu.barrier barrier_id(%barrier3A_21)
    "tpu.region"() ({
      %run_scoped3A = tpu.sem_alloc : memref<!tpu.dma_semaphore, #tpu.memory_space<semaphore_mem>>
      %dma_start3A = arith.constant 0 : i32
      %dma_start3A_47 = tpu.memref_slice %arg16[%mul3A_0, %dma_start3A] : memref<2048x176xf32, #tpu.memory_space<vmem_shared>> -> memref<128x176xf32, #tpu.memory_space<vmem_shared>>
      %dma_start3A_48 = arith.constant 0 : i32
      %dma_start3A_49 = tpu.memref_slice %arg16[%mul3A_0, %dma_start3A_48] : memref<2048x176xf32, #tpu.memory_space<vmem_shared>> -> memref<128x176xf32, #tpu.memory_space<vmem_shared>>
      tpu.enqueue_dma source(%dma_start3A_49 : memref<128x176xf32, #tpu.memory_space<vmem_shared>>) target(%arg15 : memref<128x176xf32, #tpu.memory_space<vmem>>) target_semaphore(%run_scoped3A : memref<!tpu.dma_semaphore, #tpu.memory_space<semaphore_mem>>)
      %dma_wait3A = arith.constant 0 : i32
      %dma_wait3A_50 = tpu.memref_slice %arg16[%mul3A_0, %dma_wait3A] : memref<2048x176xf32, #tpu.memory_space<vmem_shared>> -> memref<128x176xf32, #tpu.memory_space<vmem_shared>>
      %dma_wait3A_51 = arith.constant 0 : i32
      %dma_wait3A_52 = tpu.memref_slice %arg16[%mul3A_0, %dma_wait3A_51] : memref<2048x176xf32, #tpu.memory_space<vmem_shared>> -> memref<128x176xf32, #tpu.memory_space<vmem_shared>>
      tpu.wait_dma2 semaphore(%run_scoped3A : memref<!tpu.dma_semaphore, #tpu.memory_space<semaphore_mem>>) src(%dma_wait3A_52 : memref<128x176xf32, #tpu.memory_space<vmem_shared>>) dst(%arg15 : memref<128x176xf32, #tpu.memory_space<vmem>>)
      tpu.yield
    }) : () -> ()
    %mul3A_22 = arith.constant 2048 : i32
    %mul3A_23 = arith.muli %arg0, %mul3A_22 : i32
    %add3A_24 = arith.addi %mul3A_23, %mul3A_0 : i32
    "tpu.region"() ({
      %run_scoped3A = tpu.sem_alloc : memref<!tpu.dma_semaphore, #tpu.memory_space<semaphore_mem>>
      %dma_start3A = arith.constant 0 : i32
      %dma_start3A_47 = tpu.memref_slice %arg10[%add3A_24, %dma_start3A] : memref<4096x176xf32, #tpu.memory_space<hbm>> -> memref<128x176xf32, #tpu.memory_space<hbm>>
      %dma_start3A_48 = arith.constant 0 : i32
      %dma_start3A_49 = tpu.memref_slice %arg10[%add3A_24, %dma_start3A_48] : memref<4096x176xf32, #tpu.memory_space<hbm>> -> memref<128x176xf32, #tpu.memory_space<hbm>>
      tpu.enqueue_dma source(%arg15 : memref<128x176xf32, #tpu.memory_space<vmem>>) target(%dma_start3A_49 : memref<128x176xf32, #tpu.memory_space<hbm>>) target_semaphore(%run_scoped3A : memref<!tpu.dma_semaphore, #tpu.memory_space<semaphore_mem>>)
      %dma_wait3A = arith.constant 0 : i32
      %dma_wait3A_50 = tpu.memref_slice %arg10[%add3A_24, %dma_wait3A] : memref<4096x176xf32, #tpu.memory_space<hbm>> -> memref<128x176xf32, #tpu.memory_space<hbm>>
      %dma_wait3A_51 = arith.constant 0 : i32
      %dma_wait3A_52 = tpu.memref_slice %arg10[%add3A_24, %dma_wait3A_51] : memref<4096x176xf32, #tpu.memory_space<hbm>> -> memref<128x176xf32, #tpu.memory_space<hbm>>
      tpu.wait_dma2 semaphore(%run_scoped3A : memref<!tpu.dma_semaphore, #tpu.memory_space<semaphore_mem>>) src(%arg15 : memref<128x176xf32, #tpu.memory_space<vmem>>) dst(%dma_wait3A_52 : memref<128x176xf32, #tpu.memory_space<hbm>>)
      tpu.yield
    }) : () -> ()
    "tpu.region"() ({
      %run_scoped3A = tpu.sem_alloc : memref<!tpu.dma_semaphore, #tpu.memory_space<semaphore_mem>>
      tpu.enqueue_dma source(%arg8 : memref<128x176xf32, #tpu.memory_space<hbm>>) target(%arg15 : memref<128x176xf32, #tpu.memory_space<vmem>>) target_semaphore(%run_scoped3A : memref<!tpu.dma_semaphore, #tpu.memory_space<semaphore_mem>>)
      tpu.wait_dma2 semaphore(%run_scoped3A : memref<!tpu.dma_semaphore, #tpu.memory_space<semaphore_mem>>) src(%arg8 : memref<128x176xf32, #tpu.memory_space<hbm>>) dst(%arg15 : memref<128x176xf32, #tpu.memory_space<vmem>>)
      tpu.yield
    }) : () -> ()
    "tpu.region"() ({
      %run_scoped3A = tpu.sem_alloc : memref<!tpu.dma_semaphore, #tpu.memory_space<semaphore_mem>>
      %dma_start3A = arith.constant 0 : i32
      %dma_start3A_47 = tpu.memref_slice %arg16[%mul3A_0, %dma_start3A] : memref<2048x176xf32, #tpu.memory_space<vmem_shared>> -> memref<128x176xf32, #tpu.memory_space<vmem_shared>>
      %dma_start3A_48 = arith.constant 0 : i32
      %dma_start3A_49 = tpu.memref_slice %arg16[%mul3A_0, %dma_start3A_48] : memref<2048x176xf32, #tpu.memory_space<vmem_shared>> -> memref<128x176xf32, #tpu.memory_space<vmem_shared>>
      tpu.enqueue_dma source(%arg15 : memref<128x176xf32, #tpu.memory_space<vmem>>) target(%dma_start3A_49 : memref<128x176xf32, #tpu.memory_space<vmem_shared>>) target_semaphore(%run_scoped3A : memref<!tpu.dma_semaphore, #tpu.memory_space<semaphore_mem>>)
      %dma_wait3A = arith.constant 0 : i32
      %dma_wait3A_50 = tpu.memref_slice %arg16[%mul3A_0, %dma_wait3A] : memref<2048x176xf32, #tpu.memory_space<vmem_shared>> -> memref<128x176xf32, #tpu.memory_space<vmem_shared>>
      %dma_wait3A_51 = arith.constant 0 : i32
      %dma_wait3A_52 = tpu.memref_slice %arg16[%mul3A_0, %dma_wait3A_51] : memref<2048x176xf32, #tpu.memory_space<vmem_shared>> -> memref<128x176xf32, #tpu.memory_space<vmem_shared>>
      tpu.wait_dma2 semaphore(%run_scoped3A : memref<!tpu.dma_semaphore, #tpu.memory_space<semaphore_mem>>) src(%arg15 : memref<128x176xf32, #tpu.memory_space<vmem>>) dst(%dma_wait3A_52 : memref<128x176xf32, #tpu.memory_space<vmem_shared>>)
      tpu.yield
    }) : () -> ()
    %barrier3A_25 = arith.constant 0 : index
    tpu.barrier barrier_id(%barrier3A_25)
    %scan3A_26 = arith.constant 0 : i32
    %scan3A_27 = arith.constant 0 : i32
    %scan3A_28 = arith.constant 16 : i32
    %scan3A_29 = arith.addi %scan3A_27, %scan3A_28 : i32
    %scan3A_30 = arith.constant 1 : i32
    scf.for %scan3A_47 = %scan3A_27 to %scan3A_29 step %scan3A_30  : i32 {
      %mul3A_48 = arith.constant 128 : i32
      %mul3A_49 = arith.muli %scan3A_47, %mul3A_48 : i32
      %add3A_50 = arith.addi %add3A, %mul3A_49 : i32
      "tpu.region"() ({
        %run_scoped3A = tpu.sem_alloc : memref<!tpu.dma_semaphore, #tpu.memory_space<semaphore_mem>>
        %dma_start3A_55 = tpu.memref_slice %arg6[%add3A_50] : memref<65536xi32, #tpu.memory_space<hbm>> -> memref<128xi32, #tpu.memory_space<hbm>>
        %dma_start3A_56 = tpu.memref_slice %arg6[%add3A_50] : memref<65536xi32, #tpu.memory_space<hbm>> -> memref<128xi32, #tpu.memory_space<hbm>>
        tpu.enqueue_dma source(%dma_start3A_56 : memref<128xi32, #tpu.memory_space<hbm>>) target(%arg13 : memref<128xi32, #tpu.memory_space<vmem>>) target_semaphore(%run_scoped3A : memref<!tpu.dma_semaphore, #tpu.memory_space<semaphore_mem>>)
        %dma_wait3A_57 = tpu.memref_slice %arg6[%add3A_50] : memref<65536xi32, #tpu.memory_space<hbm>> -> memref<128xi32, #tpu.memory_space<hbm>>
        %dma_wait3A_58 = tpu.memref_slice %arg6[%add3A_50] : memref<65536xi32, #tpu.memory_space<hbm>> -> memref<128xi32, #tpu.memory_space<hbm>>
        tpu.wait_dma2 semaphore(%run_scoped3A : memref<!tpu.dma_semaphore, #tpu.memory_space<semaphore_mem>>) src(%dma_wait3A_58 : memref<128xi32, #tpu.memory_space<hbm>>) dst(%arg13 : memref<128xi32, #tpu.memory_space<vmem>>)
        tpu.yield
      }) : () -> ()
      "tpu.region"() ({
        %run_scoped3A = tpu.sem_alloc : memref<!tpu.dma_semaphore, #tpu.memory_space<semaphore_mem>>
        %dma_start3A_55 = tpu.memref_slice %arg7[%add3A_50] : memref<65536xi32, #tpu.memory_space<hbm>> -> memref<128xi32, #tpu.memory_space<hbm>>
        %dma_start3A_56 = tpu.memref_slice %arg7[%add3A_50] : memref<65536xi32, #tpu.memory_space<hbm>> -> memref<128xi32, #tpu.memory_space<hbm>>
        tpu.enqueue_dma source(%dma_start3A_56 : memref<128xi32, #tpu.memory_space<hbm>>) target(%arg14 : memref<128xi32, #tpu.memory_space<vmem>>) target_semaphore(%run_scoped3A : memref<!tpu.dma_semaphore, #tpu.memory_space<semaphore_mem>>)
        %dma_wait3A_57 = tpu.memref_slice %arg7[%add3A_50] : memref<65536xi32, #tpu.memory_space<hbm>> -> memref<128xi32, #tpu.memory_space<hbm>>
        %dma_wait3A_58 = tpu.memref_slice %arg7[%add3A_50] : memref<65536xi32, #tpu.memory_space<hbm>> -> memref<128xi32, #tpu.memory_space<hbm>>
        tpu.wait_dma2 semaphore(%run_scoped3A : memref<!tpu.dma_semaphore, #tpu.memory_space<semaphore_mem>>) src(%dma_wait3A_58 : memref<128xi32, #tpu.memory_space<hbm>>) dst(%arg14 : memref<128xi32, #tpu.memory_space<vmem>>)
        tpu.yield
      }) : () -> ()
      %dma_start3A = arith.constant 0 : i32
      %dma_start3A_51 = arith.constant 0 : i32
      %dma_start3A_52 = tpu.memref_slice %arg4[%dma_start3A, %dma_start3A_51] : memref<2048x176xf32, #tpu.memory_space<hbm>> -> memref<2048x176xf32, #tpu.memory_space<hbm>>
      tpu.enqueue_indirect_dma source(%dma_start3A_52 : memref<2048x176xf32, #tpu.memory_space<hbm>>) target(%arg15 : memref<128x176xf32, #tpu.memory_space<vmem>>) offsets(%arg13 : memref<128xi32, #tpu.memory_space<vmem>>) semaphore(%arg17 : memref<!tpu.dma_semaphore, #tpu.memory_space<semaphore_mem>>)
      %dma_wait3A = arith.constant 0 : i32
      %dma_wait3A_53 = arith.constant 0 : i32
      %dma_wait3A_54 = tpu.memref_slice %arg4[%dma_wait3A, %dma_wait3A_53] : memref<2048x176xf32, #tpu.memory_space<hbm>> -> memref<2048x176xf32, #tpu.memory_space<hbm>>
      tpu.wait_indirect_dma semaphore(%arg17 : memref<!tpu.dma_semaphore, #tpu.memory_space<semaphore_mem>>) src(%dma_wait3A_54 : memref<2048x176xf32, #tpu.memory_space<hbm>>) dst(%arg15 : memref<128x176xf32, #tpu.memory_space<vmem>>)
      "tpu.region"() ({
        %run_scoped3A = tpu.sem_alloc : memref<!tpu.dma_semaphore, #tpu.memory_space<semaphore_mem>>
        %dma_start3A_55 = arith.constant 0 : i32
        %dma_start3A_56 = arith.constant 0 : i32
        %dma_start3A_57 = tpu.memref_slice %arg16[%dma_start3A_55, %dma_start3A_56] : memref<2048x176xf32, #tpu.memory_space<vmem_shared>> -> memref<2048x176xf32, #tpu.memory_space<vmem_shared>>
        tpu.enqueue_indirect_dma source(%arg15 : memref<128x176xf32, #tpu.memory_space<vmem>>) target(%dma_start3A_57 : memref<2048x176xf32, #tpu.memory_space<vmem_shared>>) offsets(%arg14 : memref<128xi32, #tpu.memory_space<vmem>>) semaphore(%run_scoped3A : memref<!tpu.dma_semaphore, #tpu.memory_space<semaphore_mem>>) {add = true}
        %dma_wait3A_58 = arith.constant 0 : i32
        %dma_wait3A_59 = arith.constant 0 : i32
        %dma_wait3A_60 = tpu.memref_slice %arg16[%dma_wait3A_58, %dma_wait3A_59] : memref<2048x176xf32, #tpu.memory_space<vmem_shared>> -> memref<2048x176xf32, #tpu.memory_space<vmem_shared>>
        tpu.wait_indirect_dma semaphore(%run_scoped3A : memref<!tpu.dma_semaphore, #tpu.memory_space<semaphore_mem>>) src(%arg15 : memref<128x176xf32, #tpu.memory_space<vmem>>) dst(%dma_wait3A_60 : memref<2048x176xf32, #tpu.memory_space<vmem_shared>>)
        tpu.yield
      }) : () -> ()
    }
    %scan3A_31 = arith.constant 16 : i32
    %barrier3A_32 = arith.constant 0 : index
    tpu.barrier barrier_id(%barrier3A_32)
    "tpu.region"() ({
      %run_scoped3A = tpu.sem_alloc : memref<!tpu.dma_semaphore, #tpu.memory_space<semaphore_mem>>
      %dma_start3A = arith.constant 0 : i32
      %dma_start3A_47 = tpu.memref_slice %arg16[%mul3A_0, %dma_start3A] : memref<2048x176xf32, #tpu.memory_space<vmem_shared>> -> memref<128x176xf32, #tpu.memory_space<vmem_shared>>
      %dma_start3A_48 = arith.constant 0 : i32
      %dma_start3A_49 = tpu.memref_slice %arg16[%mul3A_0, %dma_start3A_48] : memref<2048x176xf32, #tpu.memory_space<vmem_shared>> -> memref<128x176xf32, #tpu.memory_space<vmem_shared>>
      tpu.enqueue_dma source(%dma_start3A_49 : memref<128x176xf32, #tpu.memory_space<vmem_shared>>) target(%arg15 : memref<128x176xf32, #tpu.memory_space<vmem>>) target_semaphore(%run_scoped3A : memref<!tpu.dma_semaphore, #tpu.memory_space<semaphore_mem>>)
      %dma_wait3A = arith.constant 0 : i32
      %dma_wait3A_50 = tpu.memref_slice %arg16[%mul3A_0, %dma_wait3A] : memref<2048x176xf32, #tpu.memory_space<vmem_shared>> -> memref<128x176xf32, #tpu.memory_space<vmem_shared>>
      %dma_wait3A_51 = arith.constant 0 : i32
      %dma_wait3A_52 = tpu.memref_slice %arg16[%mul3A_0, %dma_wait3A_51] : memref<2048x176xf32, #tpu.memory_space<vmem_shared>> -> memref<128x176xf32, #tpu.memory_space<vmem_shared>>
      tpu.wait_dma2 semaphore(%run_scoped3A : memref<!tpu.dma_semaphore, #tpu.memory_space<semaphore_mem>>) src(%dma_wait3A_52 : memref<128x176xf32, #tpu.memory_space<vmem_shared>>) dst(%arg15 : memref<128x176xf32, #tpu.memory_space<vmem>>)
      tpu.yield
    }) : () -> ()
    %mul3A_33 = arith.constant 2048 : i32
    %mul3A_34 = arith.muli %arg0, %mul3A_33 : i32
    %add3A_35 = arith.addi %mul3A_34, %mul3A_0 : i32
    "tpu.region"() ({
      %run_scoped3A = tpu.sem_alloc : memref<!tpu.dma_semaphore, #tpu.memory_space<semaphore_mem>>
      %dma_start3A = arith.constant 0 : i32
      %dma_start3A_47 = tpu.memref_slice %arg11[%add3A_35, %dma_start3A] : memref<4096x176xf32, #tpu.memory_space<hbm>> -> memref<128x176xf32, #tpu.memory_space<hbm>>
      %dma_start3A_48 = arith.constant 0 : i32
      %dma_start3A_49 = tpu.memref_slice %arg11[%add3A_35, %dma_start3A_48] : memref<4096x176xf32, #tpu.memory_space<hbm>> -> memref<128x176xf32, #tpu.memory_space<hbm>>
      tpu.enqueue_dma source(%arg15 : memref<128x176xf32, #tpu.memory_space<vmem>>) target(%dma_start3A_49 : memref<128x176xf32, #tpu.memory_space<hbm>>) target_semaphore(%run_scoped3A : memref<!tpu.dma_semaphore, #tpu.memory_space<semaphore_mem>>)
      %dma_wait3A = arith.constant 0 : i32
      %dma_wait3A_50 = tpu.memref_slice %arg11[%add3A_35, %dma_wait3A] : memref<4096x176xf32, #tpu.memory_space<hbm>> -> memref<128x176xf32, #tpu.memory_space<hbm>>
      %dma_wait3A_51 = arith.constant 0 : i32
      %dma_wait3A_52 = tpu.memref_slice %arg11[%add3A_35, %dma_wait3A_51] : memref<4096x176xf32, #tpu.memory_space<hbm>> -> memref<128x176xf32, #tpu.memory_space<hbm>>
      tpu.wait_dma2 semaphore(%run_scoped3A : memref<!tpu.dma_semaphore, #tpu.memory_space<semaphore_mem>>) src(%arg15 : memref<128x176xf32, #tpu.memory_space<vmem>>) dst(%dma_wait3A_52 : memref<128x176xf32, #tpu.memory_space<hbm>>)
      tpu.yield
    }) : () -> ()
    "tpu.region"() ({
      %run_scoped3A = tpu.sem_alloc : memref<!tpu.dma_semaphore, #tpu.memory_space<semaphore_mem>>
      tpu.enqueue_dma source(%arg8 : memref<128x176xf32, #tpu.memory_space<hbm>>) target(%arg15 : memref<128x176xf32, #tpu.memory_space<vmem>>) target_semaphore(%run_scoped3A : memref<!tpu.dma_semaphore, #tpu.memory_space<semaphore_mem>>)
      tpu.wait_dma2 semaphore(%run_scoped3A : memref<!tpu.dma_semaphore, #tpu.memory_space<semaphore_mem>>) src(%arg8 : memref<128x176xf32, #tpu.memory_space<hbm>>) dst(%arg15 : memref<128x176xf32, #tpu.memory_space<vmem>>)
      tpu.yield
    }) : () -> ()
    "tpu.region"() ({
      %run_scoped3A = tpu.sem_alloc : memref<!tpu.dma_semaphore, #tpu.memory_space<semaphore_mem>>
      %dma_start3A = arith.constant 0 : i32
      %dma_start3A_47 = tpu.memref_slice %arg16[%mul3A_0, %dma_start3A] : memref<2048x176xf32, #tpu.memory_space<vmem_shared>> -> memref<128x176xf32, #tpu.memory_space<vmem_shared>>
      %dma_start3A_48 = arith.constant 0 : i32
      %dma_start3A_49 = tpu.memref_slice %arg16[%mul3A_0, %dma_start3A_48] : memref<2048x176xf32, #tpu.memory_space<vmem_shared>> -> memref<128x176xf32, #tpu.memory_space<vmem_shared>>
      tpu.enqueue_dma source(%arg15 : memref<128x176xf32, #tpu.memory_space<vmem>>) target(%dma_start3A_49 : memref<128x176xf32, #tpu.memory_space<vmem_shared>>) target_semaphore(%run_scoped3A : memref<!tpu.dma_semaphore, #tpu.memory_space<semaphore_mem>>)
      %dma_wait3A = arith.constant 0 : i32
      %dma_wait3A_50 = tpu.memref_slice %arg16[%mul3A_0, %dma_wait3A] : memref<2048x176xf32, #tpu.memory_space<vmem_shared>> -> memref<128x176xf32, #tpu.memory_space<vmem_shared>>
      %dma_wait3A_51 = arith.constant 0 : i32
      %dma_wait3A_52 = tpu.memref_slice %arg16[%mul3A_0, %dma_wait3A_51] : memref<2048x176xf32, #tpu.memory_space<vmem_shared>> -> memref<128x176xf32, #tpu.memory_space<vmem_shared>>
      tpu.wait_dma2 semaphore(%run_scoped3A : memref<!tpu.dma_semaphore, #tpu.memory_space<semaphore_mem>>) src(%arg15 : memref<128x176xf32, #tpu.memory_space<vmem>>) dst(%dma_wait3A_52 : memref<128x176xf32, #tpu.memory_space<vmem_shared>>)
      tpu.yield
    }) : () -> ()
    %barrier3A_36 = arith.constant 0 : index
    tpu.barrier barrier_id(%barrier3A_36)
    %scan3A_37 = arith.constant 0 : i32
    %scan3A_38 = arith.constant 0 : i32
    %scan3A_39 = arith.constant 16 : i32
    %scan3A_40 = arith.addi %scan3A_38, %scan3A_39 : i32
    %scan3A_41 = arith.constant 1 : i32
    scf.for %scan3A_47 = %scan3A_38 to %scan3A_40 step %scan3A_41  : i32 {
      %mul3A_48 = arith.constant 128 : i32
      %mul3A_49 = arith.muli %scan3A_47, %mul3A_48 : i32
      %add3A_50 = arith.addi %add3A, %mul3A_49 : i32
      "tpu.region"() ({
        %run_scoped3A = tpu.sem_alloc : memref<!tpu.dma_semaphore, #tpu.memory_space<semaphore_mem>>
        %dma_start3A_55 = tpu.memref_slice %arg6[%add3A_50] : memref<65536xi32, #tpu.memory_space<hbm>> -> memref<128xi32, #tpu.memory_space<hbm>>
        %dma_start3A_56 = tpu.memref_slice %arg6[%add3A_50] : memref<65536xi32, #tpu.memory_space<hbm>> -> memref<128xi32, #tpu.memory_space<hbm>>
        tpu.enqueue_dma source(%dma_start3A_56 : memref<128xi32, #tpu.memory_space<hbm>>) target(%arg13 : memref<128xi32, #tpu.memory_space<vmem>>) target_semaphore(%run_scoped3A : memref<!tpu.dma_semaphore, #tpu.memory_space<semaphore_mem>>)
        %dma_wait3A_57 = tpu.memref_slice %arg6[%add3A_50] : memref<65536xi32, #tpu.memory_space<hbm>> -> memref<128xi32, #tpu.memory_space<hbm>>
        %dma_wait3A_58 = tpu.memref_slice %arg6[%add3A_50] : memref<65536xi32, #tpu.memory_space<hbm>> -> memref<128xi32, #tpu.memory_space<hbm>>
        tpu.wait_dma2 semaphore(%run_scoped3A : memref<!tpu.dma_semaphore, #tpu.memory_space<semaphore_mem>>) src(%dma_wait3A_58 : memref<128xi32, #tpu.memory_space<hbm>>) dst(%arg13 : memref<128xi32, #tpu.memory_space<vmem>>)
        tpu.yield
      }) : () -> ()
      "tpu.region"() ({
        %run_scoped3A = tpu.sem_alloc : memref<!tpu.dma_semaphore, #tpu.memory_space<semaphore_mem>>
        %dma_start3A_55 = tpu.memref_slice %arg7[%add3A_50] : memref<65536xi32, #tpu.memory_space<hbm>> -> memref<128xi32, #tpu.memory_space<hbm>>
        %dma_start3A_56 = tpu.memref_slice %arg7[%add3A_50] : memref<65536xi32, #tpu.memory_space<hbm>> -> memref<128xi32, #tpu.memory_space<hbm>>
        tpu.enqueue_dma source(%dma_start3A_56 : memref<128xi32, #tpu.memory_space<hbm>>) target(%arg14 : memref<128xi32, #tpu.memory_space<vmem>>) target_semaphore(%run_scoped3A : memref<!tpu.dma_semaphore, #tpu.memory_space<semaphore_mem>>)
        %dma_wait3A_57 = tpu.memref_slice %arg7[%add3A_50] : memref<65536xi32, #tpu.memory_space<hbm>> -> memref<128xi32, #tpu.memory_space<hbm>>
        %dma_wait3A_58 = tpu.memref_slice %arg7[%add3A_50] : memref<65536xi32, #tpu.memory_space<hbm>> -> memref<128xi32, #tpu.memory_space<hbm>>
        tpu.wait_dma2 semaphore(%run_scoped3A : memref<!tpu.dma_semaphore, #tpu.memory_space<semaphore_mem>>) src(%dma_wait3A_58 : memref<128xi32, #tpu.memory_space<hbm>>) dst(%arg14 : memref<128xi32, #tpu.memory_space<vmem>>)
        tpu.yield
      }) : () -> ()
      %dma_start3A = arith.constant 0 : i32
      %dma_start3A_51 = arith.constant 0 : i32
      %dma_start3A_52 = tpu.memref_slice %arg5[%dma_start3A, %dma_start3A_51] : memref<2048x176xf32, #tpu.memory_space<hbm>> -> memref<2048x176xf32, #tpu.memory_space<hbm>>
      tpu.enqueue_indirect_dma source(%dma_start3A_52 : memref<2048x176xf32, #tpu.memory_space<hbm>>) target(%arg15 : memref<128x176xf32, #tpu.memory_space<vmem>>) offsets(%arg13 : memref<128xi32, #tpu.memory_space<vmem>>) semaphore(%arg17 : memref<!tpu.dma_semaphore, #tpu.memory_space<semaphore_mem>>)
      %dma_wait3A = arith.constant 0 : i32
      %dma_wait3A_53 = arith.constant 0 : i32
      %dma_wait3A_54 = tpu.memref_slice %arg5[%dma_wait3A, %dma_wait3A_53] : memref<2048x176xf32, #tpu.memory_space<hbm>> -> memref<2048x176xf32, #tpu.memory_space<hbm>>
      tpu.wait_indirect_dma semaphore(%arg17 : memref<!tpu.dma_semaphore, #tpu.memory_space<semaphore_mem>>) src(%dma_wait3A_54 : memref<2048x176xf32, #tpu.memory_space<hbm>>) dst(%arg15 : memref<128x176xf32, #tpu.memory_space<vmem>>)
      "tpu.region"() ({
        %run_scoped3A = tpu.sem_alloc : memref<!tpu.dma_semaphore, #tpu.memory_space<semaphore_mem>>
        %dma_start3A_55 = arith.constant 0 : i32
        %dma_start3A_56 = arith.constant 0 : i32
        %dma_start3A_57 = tpu.memref_slice %arg16[%dma_start3A_55, %dma_start3A_56] : memref<2048x176xf32, #tpu.memory_space<vmem_shared>> -> memref<2048x176xf32, #tpu.memory_space<vmem_shared>>
        tpu.enqueue_indirect_dma source(%arg15 : memref<128x176xf32, #tpu.memory_space<vmem>>) target(%dma_start3A_57 : memref<2048x176xf32, #tpu.memory_space<vmem_shared>>) offsets(%arg14 : memref<128xi32, #tpu.memory_space<vmem>>) semaphore(%run_scoped3A : memref<!tpu.dma_semaphore, #tpu.memory_space<semaphore_mem>>) {add = true}
        %dma_wait3A_58 = arith.constant 0 : i32
        %dma_wait3A_59 = arith.constant 0 : i32
        %dma_wait3A_60 = tpu.memref_slice %arg16[%dma_wait3A_58, %dma_wait3A_59] : memref<2048x176xf32, #tpu.memory_space<vmem_shared>> -> memref<2048x176xf32, #tpu.memory_space<vmem_shared>>
        tpu.wait_indirect_dma semaphore(%run_scoped3A : memref<!tpu.dma_semaphore, #tpu.memory_space<semaphore_mem>>) src(%arg15 : memref<128x176xf32, #tpu.memory_space<vmem>>) dst(%dma_wait3A_60 : memref<2048x176xf32, #tpu.memory_space<vmem_shared>>)
        tpu.yield
      }) : () -> ()
    }
    %scan3A_42 = arith.constant 16 : i32
    %barrier3A_43 = arith.constant 0 : index
    tpu.barrier barrier_id(%barrier3A_43)
    "tpu.region"() ({
      %run_scoped3A = tpu.sem_alloc : memref<!tpu.dma_semaphore, #tpu.memory_space<semaphore_mem>>
      %dma_start3A = arith.constant 0 : i32
      %dma_start3A_47 = tpu.memref_slice %arg16[%mul3A_0, %dma_start3A] : memref<2048x176xf32, #tpu.memory_space<vmem_shared>> -> memref<128x176xf32, #tpu.memory_space<vmem_shared>>
      %dma_start3A_48 = arith.constant 0 : i32
      %dma_start3A_49 = tpu.memref_slice %arg16[%mul3A_0, %dma_start3A_48] : memref<2048x176xf32, #tpu.memory_space<vmem_shared>> -> memref<128x176xf32, #tpu.memory_space<vmem_shared>>
      tpu.enqueue_dma source(%dma_start3A_49 : memref<128x176xf32, #tpu.memory_space<vmem_shared>>) target(%arg15 : memref<128x176xf32, #tpu.memory_space<vmem>>) target_semaphore(%run_scoped3A : memref<!tpu.dma_semaphore, #tpu.memory_space<semaphore_mem>>)
      %dma_wait3A = arith.constant 0 : i32
      %dma_wait3A_50 = tpu.memref_slice %arg16[%mul3A_0, %dma_wait3A] : memref<2048x176xf32, #tpu.memory_space<vmem_shared>> -> memref<128x176xf32, #tpu.memory_space<vmem_shared>>
      %dma_wait3A_51 = arith.constant 0 : i32
      %dma_wait3A_52 = tpu.memref_slice %arg16[%mul3A_0, %dma_wait3A_51] : memref<2048x176xf32, #tpu.memory_space<vmem_shared>> -> memref<128x176xf32, #tpu.memory_space<vmem_shared>>
      tpu.wait_dma2 semaphore(%run_scoped3A : memref<!tpu.dma_semaphore, #tpu.memory_space<semaphore_mem>>) src(%dma_wait3A_52 : memref<128x176xf32, #tpu.memory_space<vmem_shared>>) dst(%arg15 : memref<128x176xf32, #tpu.memory_space<vmem>>)
      tpu.yield
    }) : () -> ()
    %mul3A_44 = arith.constant 2048 : i32
    %mul3A_45 = arith.muli %arg0, %mul3A_44 : i32
    %add3A_46 = arith.addi %mul3A_45, %mul3A_0 : i32
    "tpu.region"() ({
      %run_scoped3A = tpu.sem_alloc : memref<!tpu.dma_semaphore, #tpu.memory_space<semaphore_mem>>
      %dma_start3A = arith.constant 0 : i32
      %dma_start3A_47 = tpu.memref_slice %arg12[%add3A_46, %dma_start3A] : memref<4096x176xf32, #tpu.memory_space<hbm>> -> memref<128x176xf32, #tpu.memory_space<hbm>>
      %dma_start3A_48 = arith.constant 0 : i32
      %dma_start3A_49 = tpu.memref_slice %arg12[%add3A_46, %dma_start3A_48] : memref<4096x176xf32, #tpu.memory_space<hbm>> -> memref<128x176xf32, #tpu.memory_space<hbm>>
      tpu.enqueue_dma source(%arg15 : memref<128x176xf32, #tpu.memory_space<vmem>>) target(%dma_start3A_49 : memref<128x176xf32, #tpu.memory_space<hbm>>) target_semaphore(%run_scoped3A : memref<!tpu.dma_semaphore, #tpu.memory_space<semaphore_mem>>)
      %dma_wait3A = arith.constant 0 : i32
      %dma_wait3A_50 = tpu.memref_slice %arg12[%add3A_46, %dma_wait3A] : memref<4096x176xf32, #tpu.memory_space<hbm>> -> memref<128x176xf32, #tpu.memory_space<hbm>>
      %dma_wait3A_51 = arith.constant 0 : i32
      %dma_wait3A_52 = tpu.memref_slice %arg12[%add3A_46, %dma_wait3A_51] : memref<4096x176xf32, #tpu.memory_space<hbm>> -> memref<128x176xf32, #tpu.memory_space<hbm>>
      tpu.wait_dma2 semaphore(%run_scoped3A : memref<!tpu.dma_semaphore, #tpu.memory_space<semaphore_mem>>) src(%arg15 : memref<128x176xf32, #tpu.memory_space<vmem>>) dst(%dma_wait3A_52 : memref<128x176xf32, #tpu.memory_space<hbm>>)
      tpu.yield
    }) : () -> ()
    return
  }
}

module attributes {stable_mosaic.version = 14 : i64} {
  func.func @_tc_body(%arg0: i32, %arg1: i32, %arg2: memref<256x704xf32, #tpu.memory_space<vmem>>, %arg3: memref<1x704x1024xf32, #tpu.memory_space<vmem>>, %arg4: memref<1x1x1024xf32, #tpu.memory_space<vmem>>, %arg5: memref<1x1024x64xf32, #tpu.memory_space<vmem>>, %arg6: memref<64x1024xf32, #tpu.memory_space<vmem>>, %arg7: memref<2x1024x64xf32, #tpu.memory_space<vmem>>, %arg8: memref<1x1xf32, #tpu.memory_space<vmem>>, %arg9: memref<1x64xf32, #tpu.memory_space<vmem>>, %arg10: memref<2x1024xf32, #tpu.memory_space<vmem>>, %arg11: memref<2x1024xf32, #tpu.memory_space<vmem>>) attributes {dimension_semantics = [#tpu.dimension_semantics<arbitrary>, #tpu.dimension_semantics<arbitrary>], iteration_bounds = array<i64: 2, 8>, scalar_prefetch = 0 : i64, scratch_operands = 2 : i64, tpu.core_type = #tpu.core_type<tc>, window_params = [{transform_indices = @transform_0, window_bounds = array<i64: 256, 704>}, {transform_indices = @transform_1, window_bounds = array<i64: 1, 704, 1024>}, {transform_indices = @transform_2, window_bounds = array<i64: 1, 1, 1024>}, {transform_indices = @transform_3, window_bounds = array<i64: 1, 1024, 64>}, {pipeline_mode = #tpu.pipeline_mode<synchronous>, transform_indices = @transform_4, window_bounds = array<i64: 64, 1024>}, {pipeline_mode = #tpu.pipeline_mode<synchronous>, transform_indices = @transform_5, window_bounds = array<i64: 2, 1024, 64>}, {pipeline_mode = #tpu.pipeline_mode<synchronous>, transform_indices = @transform_6, window_bounds = array<i64: 1, 1>}, {pipeline_mode = #tpu.pipeline_mode<synchronous>, transform_indices = @transform_7, window_bounds = array<i64: 1, 64>}]} {
    %eq3A = arith.constant 0 : i32
    %eq3A_0 = arith.cmpi eq, %arg1, %eq3A : i32
    %convert_element_type3A = arith.extui %eq3A_0 : i1 to i32
    %cond3A = arith.constant 0 : i32
    %cond3A_1 = arith.cmpi ne, %convert_element_type3A, %cond3A : i32
    scf.if %cond3A_1 {
      %broadcast_in_dim3A_53 = arith.constant 0.000000e+00 : f32
      %broadcast_in_dim3A_54 = vector.broadcast %broadcast_in_dim3A_53 : f32 to vector<1x1024xf32>
      %swap3A_55 = arith.index_cast %arg0 : i32 to index
      %swap3A_56 = arith.constant 0 : index
      %swap3A_57 = vector.load %arg10[%swap3A_55, %swap3A_56] : memref<2x1024xf32, #tpu.memory_space<vmem>>, vector<1x1024xf32>
      tpu.vector_store %arg10[%swap3A_55, %swap3A_56], %broadcast_in_dim3A_54 {strides = array<i32>} : memref<2x1024xf32, #tpu.memory_space<vmem>>, vector<1x1024xf32>,
      %broadcast_in_dim3A_58 = arith.constant 0.000000e+00 : f32
      %broadcast_in_dim3A_59 = vector.broadcast %broadcast_in_dim3A_58 : f32 to vector<1x1024xf32>
      %swap3A_60 = arith.index_cast %arg0 : i32 to index
      %swap3A_61 = arith.constant 0 : index
      %swap3A_62 = vector.load %arg11[%swap3A_60, %swap3A_61] : memref<2x1024xf32, #tpu.memory_space<vmem>>, vector<1x1024xf32>
      tpu.vector_store %arg11[%swap3A_60, %swap3A_61], %broadcast_in_dim3A_59 {strides = array<i32>} : memref<2x1024xf32, #tpu.memory_space<vmem>>, vector<1x1024xf32>,
    } else {
    }
    %get3A = arith.constant 0 : index
    %get3A_2 = arith.constant 0 : index
    %get3A_3 = vector.load %arg2[%get3A, %get3A_2] : memref<256x704xf32, #tpu.memory_space<vmem>>, vector<256x704xf32>
    %get3A_4 = arith.constant 0 : index
    %get3A_5 = arith.constant 0 : index
    %get3A_6 = arith.constant 0 : index
    %get3A_7 = vector.load %arg3[%get3A_4, %get3A_5, %get3A_6] : memref<1x704x1024xf32, #tpu.memory_space<vmem>>, vector<1x704x1024xf32>
    %get3A_8 = vector.shape_cast %get3A_7 : vector<1x704x1024xf32> to vector<704x1024xf32>
    %dot_general3A = arith.constant dense<0.000000e+00> : vector<256x1024xf32>
    %dot_general3A_9 = tpu.matmul %get3A_3, %get3A_8, %dot_general3A {dimension_numbers = #tpu.dot_dimension_numbers<[1], [0], [0], [1], [0, 0, 1, 1], [], []>, transpose_lhs_hint = false} : vector<256x704xf32>, vector<704x1024xf32>, vector<256x1024xf32> -> vector<256x1024xf32>
    %get3A_10 = arith.constant 0 : index
    %get3A_11 = arith.constant 0 : index
    %get3A_12 = arith.constant 0 : index
    %get3A_13 = vector.load %arg4[%get3A_10, %get3A_11, %get3A_12] : memref<1x1x1024xf32, #tpu.memory_space<vmem>>, vector<1x1x1024xf32>
    %get3A_14 = vector.shape_cast %get3A_13 : vector<1x1x1024xf32> to vector<1x1024xf32>
    %add3A = vector.broadcast %get3A_14 : vector<1x1024xf32> to vector<256x1024xf32>
    %add3A_15 = arith.addf %dot_general3A_9, %add3A : vector<256x1024xf32>
    %tanh3A = math.tanh %add3A_15 : vector<256x1024xf32>
    %get3A_16 = arith.constant 0 : index
    %get3A_17 = arith.constant 0 : index
    %get3A_18 = arith.constant 0 : index
    %get3A_19 = vector.load %arg5[%get3A_16, %get3A_17, %get3A_18] : memref<1x1024x64xf32, #tpu.memory_space<vmem>>, vector<1x1024x64xf32>
    %get3A_20 = vector.shape_cast %get3A_19 : vector<1x1024x64xf32> to vector<1024x64xf32>
    %dot_general3A_21 = arith.constant dense<0.000000e+00> : vector<256x64xf32>
    %dot_general3A_22 = tpu.matmul %tanh3A, %get3A_20, %dot_general3A_21 {dimension_numbers = #tpu.dot_dimension_numbers<[1], [0], [0], [1], [0, 0, 1, 1], [], []>, transpose_lhs_hint = false} : vector<256x1024xf32>, vector<1024x64xf32>, vector<256x64xf32> -> vector<256x64xf32>
    %tanh3A_23 = math.tanh %dot_general3A_22 : vector<256x64xf32>
    %exp3A = math.exp %tanh3A_23 : vector<256x64xf32>
    %get3A_24 = arith.constant 0 : index
    %get3A_25 = arith.constant 0 : index
    %get3A_26 = vector.load %arg6[%get3A_24, %get3A_25] : memref<64x1024xf32, #tpu.memory_space<vmem>>, vector<64x1024xf32>
    %dot_general3A_27 = arith.constant dense<0.000000e+00> : vector<256x1024xf32>
    %dot_general3A_28 = tpu.matmul %exp3A, %get3A_26, %dot_general3A_27 {dimension_numbers = #tpu.dot_dimension_numbers<[1], [0], [0], [1], [0, 0, 1, 1], [], []>, transpose_lhs_hint = false} : vector<256x64xf32>, vector<64x1024xf32>, vector<256x1024xf32> -> vector<256x1024xf32>
    %get3A_29 = arith.index_cast %arg0 : i32 to index
    %get3A_30 = arith.constant 0 : index
    %get3A_31 = vector.load %arg10[%get3A_29, %get3A_30] : memref<2x1024xf32, #tpu.memory_space<vmem>>, vector<1x1024xf32>
    %mul3A = arith.mulf %dot_general3A_28, %tanh3A : vector<256x1024xf32>
    %reduce_sum3A = arith.constant dense<0.000000e+00> : vector<1024xf32>
    %reduce_sum3A_32 = vector.multi_reduction <add>, %mul3A, %reduce_sum3A [0] : vector<256x1024xf32> to vector<1024xf32>
    %broadcast_in_dim3A = vector.shape_cast %reduce_sum3A_32 : vector<1024xf32> to vector<1x1024xf32>
    %add3A_33 = arith.addf %get3A_31, %broadcast_in_dim3A : vector<1x1024xf32>
    %swap3A = arith.index_cast %arg0 : i32 to index
    %swap3A_34 = arith.constant 0 : index
    %swap3A_35 = vector.load %arg10[%swap3A, %swap3A_34] : memref<2x1024xf32, #tpu.memory_space<vmem>>, vector<1x1024xf32>
    tpu.vector_store %arg10[%swap3A, %swap3A_34], %add3A_33 {strides = array<i32>} : memref<2x1024xf32, #tpu.memory_space<vmem>>, vector<1x1024xf32>,
    %get3A_36 = arith.index_cast %arg0 : i32 to index
    %get3A_37 = arith.constant 0 : index
    %get3A_38 = vector.load %arg11[%get3A_36, %get3A_37] : memref<2x1024xf32, #tpu.memory_space<vmem>>, vector<1x1024xf32>
    %reduce_sum3A_39 = arith.constant dense<0.000000e+00> : vector<1024xf32>
    %reduce_sum3A_40 = vector.multi_reduction <add>, %dot_general3A_28, %reduce_sum3A_39 [0] : vector<256x1024xf32> to vector<1024xf32>
    %broadcast_in_dim3A_41 = vector.shape_cast %reduce_sum3A_40 : vector<1024xf32> to vector<1x1024xf32>
    %add3A_42 = arith.addf %get3A_38, %broadcast_in_dim3A_41 : vector<1x1024xf32>
    %swap3A_43 = arith.index_cast %arg0 : i32 to index
    %swap3A_44 = arith.constant 0 : index
    %swap3A_45 = vector.load %arg11[%swap3A_43, %swap3A_44] : memref<2x1024xf32, #tpu.memory_space<vmem>>, vector<1x1024xf32>
    tpu.vector_store %arg11[%swap3A_43, %swap3A_44], %add3A_42 {strides = array<i32>} : memref<2x1024xf32, #tpu.memory_space<vmem>>, vector<1x1024xf32>,
    %eq3A_46 = arith.constant 1 : i32
    %eq3A_47 = arith.cmpi eq, %arg0, %eq3A_46 : i32
    %eq3A_48 = arith.constant 7 : i32
    %eq3A_49 = arith.cmpi eq, %arg1, %eq3A_48 : i32
    %and3A = arith.andi %eq3A_47, %eq3A_49 : i1
    %convert_element_type3A_50 = arith.extui %and3A : i1 to i32
    %cond3A_51 = arith.constant 0 : i32
    %cond3A_52 = arith.cmpi ne, %convert_element_type3A_50, %cond3A_51 : i32
    scf.if %cond3A_52 {
      %get3A_53 = arith.constant 0 : index
      %get3A_54 = arith.constant 0 : index
      %get3A_55 = vector.load %arg10[%get3A_53, %get3A_54] : memref<2x1024xf32, #tpu.memory_space<vmem>>, vector<2x1024xf32>
      %get3A_56 = arith.constant 0 : index
      %get3A_57 = arith.constant 0 : index
      %get3A_58 = vector.load %arg11[%get3A_56, %get3A_57] : memref<2x1024xf32, #tpu.memory_space<vmem>>, vector<2x1024xf32>
      %div3A = arith.divf %get3A_55, %get3A_58 : vector<2x1024xf32>
      %get3A_59 = arith.constant 0 : index
      %get3A_60 = arith.constant 0 : index
      %get3A_61 = arith.constant 0 : index
      %get3A_62 = vector.load %arg7[%get3A_59, %get3A_60, %get3A_61] : memref<2x1024x64xf32, #tpu.memory_space<vmem>>, vector<2x1024x64xf32>
      %slice3A = vector.extract_strided_slice %div3A {offsets = [0, 0], sizes = [1, 1024], strides = [1, 1]} : vector<2x1024xf32> to vector<1x1024xf32>
      %slice3A_63 = vector.extract_strided_slice %get3A_62 {offsets = [0, 0, 0], sizes = [1, 1024, 64], strides = [1, 1, 1]} : vector<2x1024x64xf32> to vector<1x1024x64xf32>
      %squeeze3A = vector.shape_cast %slice3A_63 : vector<1x1024x64xf32> to vector<1024x64xf32>
      %dot_general3A_64 = arith.constant dense<0.000000e+00> : vector<1x64xf32>
      %dot_general3A_65 = tpu.matmul %slice3A, %squeeze3A, %dot_general3A_64 {dimension_numbers = #tpu.dot_dimension_numbers<[1], [0], [0], [1], [0, 0, 1, 1], [], []>, transpose_lhs_hint = false} : vector<1x1024xf32>, vector<1024x64xf32>, vector<1x64xf32> -> vector<1x64xf32>
      %slice3A_66 = vector.extract_strided_slice %div3A {offsets = [1, 0], sizes = [1, 1024], strides = [1, 1]} : vector<2x1024xf32> to vector<1x1024xf32>
      %slice3A_67 = vector.extract_strided_slice %get3A_62 {offsets = [1, 0, 0], sizes = [1, 1024, 64], strides = [1, 1, 1]} : vector<2x1024x64xf32> to vector<1x1024x64xf32>
      %squeeze3A_68 = vector.shape_cast %slice3A_67 : vector<1x1024x64xf32> to vector<1024x64xf32>
      %dot_general3A_69 = arith.constant dense<0.000000e+00> : vector<1x64xf32>
      %dot_general3A_70 = tpu.matmul %slice3A_66, %squeeze3A_68, %dot_general3A_69 {dimension_numbers = #tpu.dot_dimension_numbers<[1], [0], [0], [1], [0, 0, 1, 1], [], []>, transpose_lhs_hint = false} : vector<1x1024xf32>, vector<1024x64xf32>, vector<1x64xf32> -> vector<1x64xf32>
      %add3A_71 = arith.addf %dot_general3A_65, %dot_general3A_70 : vector<1x64xf32>
      %get3A_72 = arith.constant 0 : index
      %get3A_73 = arith.constant 0 : index
      %get3A_74 = vector.load %arg8[%get3A_72, %get3A_73] : memref<1x1xf32, #tpu.memory_space<vmem>>, vector<1x1xf32>
      %add3A_75 = vector.broadcast %get3A_74 : vector<1x1xf32> to vector<1x64xf32>
      %add3A_76 = arith.addf %add3A_71, %add3A_75 : vector<1x64xf32>
      %swap3A_77 = arith.constant 0 : index
      %swap3A_78 = arith.constant 0 : index
      %swap3A_79 = vector.load %arg9[%swap3A_77, %swap3A_78] : memref<1x64xf32, #tpu.memory_space<vmem>>, vector<1x64xf32>
      tpu.vector_store %arg9[%swap3A_77, %swap3A_78], %add3A_76 {strides = array<i32>} : memref<1x64xf32, #tpu.memory_space<vmem>>, vector<1x64xf32>,
    } else {
    }
    return
  }
  func.func @transform_0(%arg0: i32, %arg1: i32) -> (i32, i32) {
    %mul3A = arith.constant 8 : i32
    %mul3A_0 = arith.muli %arg0, %mul3A : i32
    %add3A = arith.addi %mul3A_0, %arg1 : i32
    %c0_i32 = arith.constant 0 : i32
    %c0_i32_1 = arith.constant 0 : i32
    return %add3A, %c0_i32 : i32, i32
  }
  func.func @transform_1(%arg0: i32, %arg1: i32) -> (i32, i32, i32) {
    %c0_i32 = arith.constant 0 : i32
    %c0_i32_0 = arith.constant 0 : i32
    %c0_i32_1 = arith.constant 0 : i32
    return %arg0, %c0_i32, %c0_i32_0 : i32, i32, i32
  }
  func.func @transform_2(%arg0: i32, %arg1: i32) -> (i32, i32, i32) {
    %c0_i32 = arith.constant 0 : i32
    %c0_i32_0 = arith.constant 0 : i32
    %c0_i32_1 = arith.constant 0 : i32
    return %arg0, %c0_i32, %c0_i32_0 : i32, i32, i32
  }
  func.func @transform_3(%arg0: i32, %arg1: i32) -> (i32, i32, i32) {
    %c0_i32 = arith.constant 0 : i32
    %c0_i32_0 = arith.constant 0 : i32
    %c0_i32_1 = arith.constant 0 : i32
    return %arg0, %c0_i32, %c0_i32_0 : i32, i32, i32
  }
  func.func @transform_4(%arg0: i32, %arg1: i32) -> (i32, i32) {
    %c0_i32 = arith.constant 0 : i32
    %c0_i32_0 = arith.constant 0 : i32
    %c0_i32_1 = arith.constant 0 : i32
    return %c0_i32, %c0_i32_0 : i32, i32
  }
  func.func @transform_5(%arg0: i32, %arg1: i32) -> (i32, i32, i32) {
    %c0_i32 = arith.constant 0 : i32
    %c0_i32_0 = arith.constant 0 : i32
    %c0_i32_1 = arith.constant 0 : i32
    %c0_i32_2 = arith.constant 0 : i32
    return %c0_i32, %c0_i32_0, %c0_i32_1 : i32, i32, i32
  }
  func.func @transform_6(%arg0: i32, %arg1: i32) -> (i32, i32) {
    %c0_i32 = arith.constant 0 : i32
    %c0_i32_0 = arith.constant 0 : i32
    %c0_i32_1 = arith.constant 0 : i32
    return %c0_i32, %c0_i32_0 : i32, i32
  }
  func.func @transform_7(%arg0: i32, %arg1: i32) -> (i32, i32) {
    %c0_i32 = arith.constant 0 : i32
    %c0_i32_0 = arith.constant 0 : i32
    %c0_i32_1 = arith.constant 0 : i32
    return %c0_i32, %c0_i32_0 : i32, i32
  }
}

</mosaic_0001>

<sc_bundles>
// kernel: kernel.4.cloned.1.call-start
scs
__scs_entry_jumppad:
0x0: {  	(pc) =	sbr.rel $0x88, $3  }
0x1: {  	(tag) =	ssettag $0x0;
	lr =	simm.s32 $0x1  }
0x2: {  	[smem:$0x3F94] =	sst lr;
	_ =	strace $0xD0000000  }
0x3: {  	_ = 	snop  }
0x4: {  	_ = 	snop  }
0x5: {  	_ = 	snop  }
0x6: {  	_ = 	snop  }
0x7: {  	_ = 	snop  }
__scs_overlays_trampoline_lowered:
0x8: {  	[smem:$0x3FA3] =	sst s0  }
0x9: {  	[smem:$0x3FA4] =	sst s1  }
0xa: {  	[smem:$0x3FA5] =	sst s2  }
0xb: {  	[smem:$0x3FA6] =	sst s3  }
0xc: {  	[smem:$0x3FA7] =	sst s4  }
0xd: {  	[smem:$0x3FA8] =	sst s5  }
0xe: {  	[smem:$0x3FA9] =	sst s6  }
0xf: {  	[smem:$0x3FAA] =	sst s7  }
0x10: {  	[smem:$0x3FAB] =	sst s8  }
0x11: {  	[smem:$0x3FAC] =	sst s9;
	s0 =	simm.s32 @!p0 $0x0  }
0x12: {  	s1 =	sld [smem:$0x3F92];
	s0 =	simm.s32 @p0 $0x1  }
0x13: {  	[smem:$0x3FAD] =	sst s0;
	s0 =	simm.s32 @!p1 $0x0  }
0x14: {  	s2 =	sld [smem:$0x3F91];
	s0 =	simm.s32 @p1 $0x1  }
0x15: {  	[smem:$0x3FAE] =	sst s0;
	s0 =	simm.s32 @!p2 $0x0  }
0x16: {  	s3 =	sld [smem:$0x3FDB];
	s0 =	simm.s32 @p2 $0x1  }
0x17: {  	s4 =	simm.s32 $0x1BF5;
	[smem:$0x3FB0] =	sst s0  }
0x18: {  	s0 =	sld [smem:$0x3F93];
	_ =	swait.ge [sflag:s4], $0x0  }
0x19: {  	s7 =	sld [smem:$0x3F94]  }
0x1a: {  	s8 =	sadd.s32 $0xFFFFE003, lr  }
0x1b: {  	s9 =	sadd.s32 $0xFFFFFEF7, lr;
	s5 =	simm.s32 $0xFFFFFFFF;
	p2 =	slt.u32 s8, $0xFFFFF086  }
0x1c: {  	p1 =	slt.u32 s9, $0xF7A;
	s5 =	simm.s32 @!p2 $0x0  }
0x1d: {  	s5 =	simm.s32 @p1 $0x1;
	p0 =	seq.s32 s7, s2  }
0x1e: {  	s7 =	smul.u32 @!p0 $0xF7A, s2;
	p2 =	seq.s32 @!p0 s5, $0x0  }
0x1f: {  	s9 =	smul.u32 $0xF7A, s1;
	s8 =	simm.s32 @!p0 $0x1BF5;
	p2 =	por !p2, p0  }
0x20: {  	[sflag:s8] =	ssyncset.s32 @!p0 $0xFFFFF086;
	s6 =	sadd.s32 @!p0 s3, s7;
	s7 =	simm.s32 @!p0 $0x108  }
0x21: {  	s3 =	sadd.s32 s3, s9;
	s6 =	sadd.s32 @!p0 $0x88, s6;
	s7 =	simm.s32 @p2 $0x1082  }
0x22: {  	[simem:s7], [sflag:s8] =	dma.local @!p0 [hbm:s6], $0xF7A  }
0x23: {  	s9 =	sor.u32 $0xD0000000, s2;
	s6 =	simm.s32 $0x108;
	_ =	swait.ge @!p0 [sflag:s8], $0x0  }
0x24: {  	s3 =	sadd.s32 $0x88, s3;
	s6 =	simm.s32 @!p1 $0x1082;
	[sflag:s4] =	ssyncset.s32 $0xFFFFF086  }
0x25: {  	[simem:s6], [sflag:s4] =	dma.local [hbm:s3], $0xF7A  }
0x26: {  	[smem:$0x3F94] =	sst s1;
	(tag) =	ssettag s2;
	_ =	strace s9  }
0x27: {  	s1 =	sld [smem:$0x3FA4]  }
0x28: {  	s2 =	sld [smem:$0x3FA5]  }
0x29: {  	s4 =	sld [smem:$0x3FA7]  }
0x2a: {  	p0 =	seq.s32 s5, $0x0;
	s5 =	sld [smem:$0x3FA8]  }
0x2b: {  	s6 =	sld [smem:$0x3FA9]  }
0x2c: {  	s7 =	sld [smem:$0x3FAA]  }
0x2d: {  	s3 =	simm.s32 $0x108;
	s8 =	sld [smem:$0x3FAB]  }
0x2e: {  	s3 =	simm.s32 @!p0 $0x1082;
	s9 =	sld [smem:$0x3FAC]  }
0x2f: {  	lr =	sadd.s32 s0, s3;
	s0 =	sld [smem:$0x3FA3]  }
0x30: {  	s3 =	sld [smem:$0x3FA6]  }
0x31: {  	[smem:$0x3FAF] =	sst s10  }
0x32: {  	s10 =	sld [smem:$0x3FAD];
	_ =	sdelay $0x3  }
0x33: {  	p0 =	seq.s32 s10, $0x1;
	s10 =	sld [smem:$0x3FAF];
	_ =	sdelay $0x3  }
0x34: {  	[smem:$0x3FAF] =	sst s10  }
0x35: {  	s10 =	sld [smem:$0x3FAE];
	_ =	sdelay $0x3  }
0x36: {  	p1 =	seq.s32 s10, $0x1;
	s10 =	sld [smem:$0x3FAF];
	_ =	sdelay $0x3  }
0x37: {  	[smem:$0x3FAF] =	sst s10  }
0x38: {  	s10 =	sld [smem:$0x3FB0]  }
0x39: {  	_ = 	snop;
	(pc) =	sbr.ind lr, $3  }
0x3a: {  	_ = 	snop  }
0x3b: {  	_ = 	snop  }
0x3c: {  	p2 =	seq.s32 s10, $0x1;
	s10 =	sld [smem:$0x3FAF]  }
0x3d: {  	_ =	shalt  }
0x3e: {  	_ =	shalt  }
0x3f: {  	_ =	shalt  }
0x40: {  	_ =	shalt  }
0x41: {  	_ =	shalt  }
0x42: {  	_ =	shalt  }
0x43: {  	_ =	shalt  }
0x44: {  	_ =	shalt  }
0x45: {  	_ =	shalt  }
0x46: {  	_ =	shalt  }
0x47: {  	_ =	shalt  }
0x48: {  	_ =	shalt  }
0x49: {  	_ =	shalt  }
0x4a: {  	_ =	shalt  }
0x4b: {  	_ =	shalt  }
0x4c: {  	_ =	shalt  }
0x4d: {  	_ =	shalt  }
0x4e: {  	_ =	shalt  }
0x4f: {  	_ =	shalt  }
0x50: {  	_ =	shalt  }
0x51: {  	_ =	shalt  }
0x52: {  	_ =	shalt  }
0x53: {  	_ =	shalt  }
0x54: {  	_ =	shalt  }
0x55: {  	_ =	shalt  }
0x56: {  	_ =	shalt  }
0x57: {  	_ =	shalt  }
0x58: {  	_ =	shalt  }
0x59: {  	_ =	shalt  }
0x5a: {  	_ =	shalt  }
0x5b: {  	_ =	shalt  }
0x5c: {  	_ =	shalt  }
0x5d: {  	_ =	shalt  }
0x5e: {  	_ =	shalt  }
0x5f: {  	_ =	shalt  }
0x60: {  	_ =	shalt  }
0x61: {  	_ =	shalt  }
0x62: {  	_ =	shalt  }
0x63: {  	_ =	shalt  }
0x64: {  	_ =	shalt  }
0x65: {  	_ =	shalt  }
0x66: {  	_ =	shalt  }
0x67: {  	_ =	shalt  }
0x68: {  	_ =	shalt  }
0x69: {  	_ =	shalt  }
0x6a: {  	_ =	shalt  }
0x6b: {  	_ =	shalt  }
0x6c: {  	_ =	shalt  }
0x6d: {  	_ =	shalt  }
0x6e: {  	_ =	shalt  }
0x6f: {  	_ =	shalt  }
0x70: {  	_ =	shalt  }
0x71: {  	_ =	shalt  }
0x72: {  	_ =	shalt  }
0x73: {  	_ =	shalt  }
0x74: {  	_ =	shalt  }
0x75: {  	_ =	shalt  }
0x76: {  	_ =	shalt  }
0x77: {  	_ =	shalt  }
0x78: {  	_ =	shalt  }
0x79: {  	_ =	shalt  }
0x7a: {  	_ =	shalt  }
0x7b: {  	_ =	shalt  }
0x7c: {  	_ =	shalt  }
0x7d: {  	_ =	shalt  }
0x7e: {  	_ =	shalt  }
0x7f: {  	_ =	shalt  }
0x80: {  	_ =	shalt  }
0x81: {  	_ =	shalt  }
0x82: {  	_ =	shalt  }
0x83: {  	_ =	shalt  }
0x84: {  	_ =	shalt  }
0x85: {  	_ =	shalt  }
0x86: {  	_ =	shalt  }
0x87: {  	_ =	shalt  }
.Lfunc_end0:
.L_simem_size_0:
called_computation_lowered:
.L_overlay_start_0:
0x88: {  	s2 =	sld [smem:$0x3FD9]  }
0x89: {  	s3 =	sld [smem:$0x3FFE];
	_ =	sdelay $0x1  }
0x8a: {  	s1 =	srdreg.scid  }
0x8b: {  	s0 =	sand.u32 $0x1, s1  }
0x8c: {  	s16 =	sshll.u32 s0, $0xA;
	s2 =	sadd.s32 s3, s2  }
0x8d: {  	s2 =	sadd.s32 s2, s16  }
0x8e: {  	[smem:$0x3FBB] =	sst s2  }
0x8f: {  	_ = 	snop  }
0x90: {  	(tm) =	ssettm $0x1  }
0x91: {  	s17 =	sld [smem:$0x3FFB];
	_ =	sdelay $0x3  }
0x92: {  	_ =	strace s17  }
0x93: {  	s2 =	sld [smem:$0x3FFC];
	_ =	sdelay $0x3  }
0x94: {  	_ =	strace s2  }
0x95: {  	s2 =	sld [smem:$0x3FFD];
	_ =	sdelay $0x3  }
0x96: {  	_ =	strace s2  }
0x97: {  	_ =	strace $0x8FFFFFFF  }
0x98: {  	s18 =	sld [smem:$0x3FDB];
	_ =	sdelay $0x1  }
0x99: {  	s19 =	simm.s32 $_scs_section_size  }
0x9a: {  	s4 =	simm.s32 $_size__tile_overlayer_lowered;
	s5 =	simm.s32 $_tile_overlayer_lowered  }
0x9b: {  	s22 =	simm.s32 $0x1BFF;
	s21 =	sshll.u32 s5, $0x1;
	s2 =	sadd.s32 s19, s18  }
0x9c: {  	s6 =	simm.s32 $0x0;
	s20 =	sshll.u32 s4, $0x1;
	s4 =	sadd.s32 s21, s2  }
0x9d: {  	[timem:s6], [sflag:s22] =	dma.local [hbm:s4], s20  }
0x9e: {  	_ =	swait.ge [sflag:s22], s20  }
0x9f: {  	s3 =	ssub.s32 $0x0, s20;
	[sflag:s22] =	ssyncset.done $0x0  }
0xa0: {  	[sflag:s22] =	ssyncadd.s32 s3;
	_ =	sdelay $0x1  }
0xa1: {  	s23 =	simm.s32 $0x1B8B  }
0xa2: {  	_ =	swait.ge [sflag:s23], $0x1  }
0xa3: {  	[sflag:s23] =	ssyncset.done $0x0  }
0xa4: {  	s25 =	simm.s32 $0x1B8E;
	s24 =	sld [smem:$0x3FFE];
	[sflag:s23] =	ssyncadd.s32 $0xFFFFFFFF  }
0xa5: {  	s26 =	simm.s32 $execute0_lowered;
	[smem:$0x3FD2] =	sst s25  }
0xa6: {  	s4 =	sshll.u32 s26, $0x1;
	_ =	strace $0x80000046;
	[dreg:$0x1] =	wrdreg $0xFFFFFFFF  }
0xa7: {  	s28 =	simm.s32 $_size_execute0_lowered;
	s2 =	sadd.s32 s2, s4;
	[dreg:$0x0] =	wrdreg $0x0  }
0xa8: {  	s4 =	sshll.u32 s28, $0x1;
	[dreg:$0x2] =	wrdreg s2  }
0xa9: {  	[dreg:$0x3] =	wrdreg s4  }
0xaa: {  	[dreg:$0x4] =	wrdreg $0xC0  }
0xab: {  	_ =	task [dreg:s6], $0x5FFFF  }
0xac: {  	[dreg:$0x1] =	wrdreg $0xFFFFFFFF  }
0xad: {  	[dreg:$0x0] =	wrdreg $0x60  }
0xae: {  	[dreg:$0x2] =	wrdreg s24  }
0xaf: {  	[dreg:$0x3] =	wrdreg $0x59000  }
0xb0: {  	[dreg:$0x4] =	wrdreg $0x9  }
0xb1: {  	_ =	task.clear_ibuf [dreg:s6], $0x5FFFF;
	_ =	strace $0x90000046  }
0xb2: {  	s29 =	simm.s32 $0x9;
	_ =	strace $0x80000048  }
0xb3: {  	_ =	swait.ge [sflag:s29], $0x1  }
0xb4: {  	[sflag:s29] =	ssyncadd.s32 $0xFFFFFFFF  }
0xb5: {  	_ =	strace $0x90000048  }
0xb6: {  	_ =	sfence  }
0xb7: {  	s30 =	sld [smem:$0x0];
	_ =	sdelay $0x2  }
0xb8: {  	s31 =	sshll.u32 s1, $0xD;
	s1 =	sshrl.u32 s1, $0x2  }
0xb9: {  	s3 =	sand.u32 $0x4000, s31;
	s1 =	sadd.s32 s1, s30  }
0xba: {  	s0 =	sor.u32 s3, s0;
	s1 =	sshll.u32 s1, $0x11  }
0xbb: {  	s0 =	sor.u32 s1, s0  }
0xbc: {  	s0 =	sadd.s32 $0x8F2B, s0  }
0xbd: {  	[sflag:s0] =	ssyncadd.remote.s32 $0x1  }
0xbe: {  	_ =	sfence.sel $0xFFFF  }
0xbf: {  	[dreg:$0x0] =	wrdreg $0xFFFFFFFF;
	(pc) =	sbr.abs _section_cstart, $3  }
0xc0: {  	[dreg:$0x1] =	wrdreg $0xFFFFFFFF  }
0xc1: {  	_ =	task.clear_ibuf [dreg:s6], $0x2FFFF;
	_ =	strace $0x9FFFFFFF  }
0xc2: {  	(tm) =	ssettm $0x7FFFFFFF  }
0xc3: {  	_ =	shalt  }
tec
execute0_lowered:
.L_overlay_start_1:
0x0: {  	(tag) =	ssettag $0x1  }
0x1: {  	s9 =	rddreg [dreg:$0x0]  }
0x2: {  	s1 =	rddreg [dreg:$0x1]  }
0x3: {  	s0 =	rddreg [dreg:$0x2]  }
0x4: {  	s2 =	simm.s32 $0x0;
	s7 =	srdreg.scid;
	s3 =	stileid.u32  }
0x5: {  	s17 =	simm.s32 $0x100;
	s18 =	simm.s32 $0x2;
	s19 =	simm.s32 $0x80  }
0x6: {  	s20 =	simm.s32 $0x1;
	s21 =	simm.s32 $0x0;
	[smem:$0x7FF] =	sst s2  }
0x7: {  	s4 =	sadd.s32 $0x2E00, s9;
	s5 =	sadd.s32 $0xDE00, s9;
	s6 =	sadd.s32 $0x18E00, s9  }
0x8: {  	s8 =	sand.u32 $0x1, s7;
	s7 =	sadd.s32 $0x23E00, s9;
	s11 =	sshll.u32 s3, $0xB  }
0x9: {  	s28 =	sshll.u32 s3, $0x7;
	s10 =	sshll.u32 s8, $0xF;
	s12 =	sshll.u32 s8, $0xB  }
0xa: {  	s29 =	smul.u32 $0x16000, s3;
	s10 =	sor.u32 s11, s10;
	s11 =	sor.u32 s28, s12  }
0xb: {  	_ =	strace $0x80000047;
	s31 =	ssub.s32 $0x2, s8;
	s30 =	smul.u32 $0x16, s11  }
0xc: {  	s8 =	sadd.s32 $0x32E00, s9;
	s13 =	sshrl.u32 s31, $0x1;
	s12 =	sshrl.u32 s29, $0x2  }
0xd: {  	s10 =	sshrl.u32 s10, $0x3;
	s15 =	ssub.s32 s31, s13;
	s14 =	sadd.s32 s30, s9  }
0xe: {  	s16 =	sadd.s32 s10, s9;
	s9 =	sadd.s32 s12, s1;
	s10 =	sadd.s32 $0x75A00, s14  }
0xf: {  	s11 =	sadd.s32 $0x5FA00, s14;
	s12 =	sadd.s32 $0x49A00, s14;
	s13 =	sadd.s32 $0x33A00, s14  }
0x10: {  	s14 =	smax.u32 s15, $0x1;
	s15 =	sadd.s32 $0x30E00, s16;
	s16 =	sadd.s32 $0x2EE00, s16  }
.LBB2_1:
0x11: {  	[tilespmem:s17], [sflag:$0x2] =	stream.linear.gather [hbm4b:s8+s2], $0x5800, $0x38;
	[tilespmem:$0xB100] =	vst v63  }
0x12: {  	_ =	swait.ge [sflag:s18], $0x5800  }
0x13: {  	[sflag:s18] =	ssyncset.done $0x0  }
0x14: {  	[sflag:s18] =	ssyncadd.s32 $0xFFFFA800  }
0x15: {  	[spmem:s9] =	stream.linear.scatter [tilespmem:s17], [sflag:$0x2], $0x5800, $0x38;
	[tilespmem:$0xB100] =	vst v63  }
0x16: {  	_ =	swait.ge [sflag:s18], $0x5800  }
0x17: {  	[sflag:s18] =	ssyncset.done $0x0  }
0x18: {  	[sflag:s18] =	ssyncadd.s32 $0xFFFFA800  }
0x19: {  	s22 =	sadd.s32 $0x0, s16;
	[bflag:$0x0] =	sbarrier.arrive $0xFFFF  }
0x1a: {  	[tilespmem:s2], [sflag:$0x2] =	stream.linear.gather [hbm4b:s22+s2], $0x80, $0x38;
	[tilespmem:$0xB100] =	vst v63  }
0x1b: {  	_ =	swait.ge [sflag:s18], $0x80  }
0x1c: {  	[sflag:s18] =	ssyncset.done $0x0  }
0x1d: {  	s31 =	sadd.s32 $0x0, s15;
	[sflag:s18] =	ssyncadd.s32 $0xFFFFFF80  }
0x1e: {  	[tilespmem:s19], [sflag:$0x2] =	stream.linear.gather [hbm4b:s31+s2], $0x80, $0x38;
	[tilespmem:$0xB100] =	vst v63  }
0x1f: {  	_ =	swait.ge [sflag:s18], $0x80  }
0x20: {  	[sflag:s18] =	ssyncset.done $0x0  }
0x21: {  	[sflag:s18] =	ssyncadd.s32 $0xFFFFFF80  }
0x22: {  	[tilespmem:s17], [sflag:$0x1] =	stream.indirect.gather [hbm4b:s4+s19], $0xB0, s2, s19, $0xb8;
	[tilespmem:$0xB100] =	vst v63  }
0x23: {  	_ =	swait.ge [sflag:s20], $0x5800  }
0x24: {  	[sflag:s20] =	ssyncset.done $0x0  }
0x25: {  	[sflag:s20] =	ssyncadd.s32 $0xFFFFA800  }
0x26: {  	[spmem:s1] =	stream.indirect.scatter.add.f32 [tilespmem:s17], [sflag:$0x2], $0xB0, s19, s19, $0xb8;
	[tilespmem:$0xB100] =	vst v63  }
0x27: {  	_ =	swait.ge [sflag:s18], $0x5800  }
0x28: {  	s23 =	simm.s32 $0x20;
	s22 =	simm.s32 $0x10;
	[sflag:s18] =	ssyncset.done $0x0  }
.LBB2_2:
0x29: {  	s24 =	sadd.s32 s22, s16  }
0x2a: {  	[sflag:s18] =	ssyncadd.s32 $0xFFFFA800;
	s25 =	smov.u32 s23;
	s26 =	sadd.s32 $0x10, s23  }
0x2b: {  	[tilespmem:s2], [sflag:$0x2] =	stream.linear.gather [hbm4b:s24+s2], $0x80, $0x38;
	[tilespmem:$0xB100] =	vst v63  }
0x2c: {  	p0 =	sne.s32 s23, $0xF0;
	_ =	swait.ge [sflag:s18], $0x80  }
0x2d: {  	[sflag:s18] =	ssyncset.done $0x0  }
0x2e: {  	s23 =	sadd.s32 s22, s15;
	s22 =	smov.u32 s25;
	[sflag:s18] =	ssyncadd.s32 $0xFFFFFF80  }
0x2f: {  	[tilespmem:s19], [sflag:$0x2] =	stream.linear.gather [hbm4b:s23+s2], $0x80, $0x38;
	[tilespmem:$0xB100] =	vst v63  }
0x30: {  	_ =	swait.ge [sflag:s18], $0x80  }
0x31: {  	[sflag:s18] =	ssyncset.done $0x0  }
0x32: {  	[sflag:s18] =	ssyncadd.s32 $0xFFFFFF80  }
0x33: {  	[tilespmem:s17], [sflag:$0x1] =	stream.indirect.gather [hbm4b:s4+s19], $0xB0, s2, s19, $0xb8;
	[tilespmem:$0xB100] =	vst v63  }
0x34: {  	_ =	swait.ge [sflag:s20], $0x5800  }
.Ltmp0:
0x35: {  	[sflag:s20] =	ssyncset.done $0x0;
	(pc) =	sbr.rel @p0 .LBB2_2-.Ltmp0, $4  }
0x36: {  	[sflag:s20] =	ssyncadd.s32 $0xFFFFA800  }
0x37: {  	[spmem:s1] =	stream.indirect.scatter.add.f32 [tilespmem:s17], [sflag:$0x2], $0xB0, s19, s19, $0xb8;
	[tilespmem:$0xB100] =	vst v63  }
0x38: {  	_ =	swait.ge [sflag:s18], $0x5800  }
0x39: {  	s23 =	smov.u32 s26;
	[sflag:s18] =	ssyncset.done $0x0  }
0x3a: {  	s23 =	sadd.s32 s22, s16;
	[sflag:s18] =	ssyncadd.s32 $0xFFFFA800  }
0x3b: {  	[tilespmem:s2], [sflag:$0x2] =	stream.linear.gather [hbm4b:s23+s2], $0x80, $0x38;
	[tilespmem:$0xB100] =	vst v63  }
0x3c: {  	_ =	swait.ge [sflag:s18], $0x80  }
0x3d: {  	[sflag:s18] =	ssyncset.done $0x0  }
0x3e: {  	s28 =	sadd.s32 s22, s15;
	[sflag:s18] =	ssyncadd.s32 $0xFFFFFF80  }
0x3f: {  	[tilespmem:s19], [sflag:$0x2] =	stream.linear.gather [hbm4b:s28+s2], $0x80, $0x38;
	[tilespmem:$0xB100] =	vst v63  }
0x40: {  	_ =	swait.ge [sflag:s18], $0x80  }
0x41: {  	[sflag:s18] =	ssyncset.done $0x0  }
0x42: {  	[sflag:s18] =	ssyncadd.s32 $0xFFFFFF80  }
0x43: {  	[tilespmem:s17], [sflag:$0x1] =	stream.indirect.gather [hbm4b:s4+s19], $0xB0, s2, s19, $0xb8;
	[tilespmem:$0xB100] =	vst v63  }
0x44: {  	_ =	swait.ge [sflag:s20], $0x5800  }
0x45: {  	[sflag:s20] =	ssyncset.done $0x0  }
0x46: {  	[sflag:s20] =	ssyncadd.s32 $0xFFFFA800  }
0x47: {  	[spmem:s1] =	stream.indirect.scatter.add.f32 [tilespmem:s17], [sflag:$0x2], $0xB0, s19, s19, $0xb8;
	[tilespmem:$0xB100] =	vst v63  }
0x48: {  	_ =	swait.ge [sflag:s18], $0x5800  }
0x49: {  	[sflag:s18] =	ssyncset.done $0x0  }
0x4a: {  	[sflag:s18] =	ssyncadd.s32 $0xFFFFA800  }
0x4b: {  	[bflag:$0x0] =	sbarrier.arrive $0xFFFF  }
0x4c: {  	[tilespmem:s17], [sflag:$0x2] =	stream.linear.gather [spmem:s9], $0x5800, $0x38;
	[tilespmem:$0xB100] =	vst v63  }
0x4d: {  	_ =	swait.ge [sflag:s18], $0x5800  }
0x4e: {  	[sflag:s18] =	ssyncset.done $0x0  }
0x4f: {  	s29 =	simm.s32 $0x0;
	[sflag:s18] =	ssyncadd.s32 $0xFFFFA800  }
0x50: {  	[hbm4b:s10+s29] =	stream.linear.scatter [tilespmem:s17], [sflag:$0x2], $0x5800, $0x38;
	[tilespmem:$0xB100] =	vst v63  }
0x51: {  	_ =	swait.ge [sflag:s18], $0x5800  }
0x52: {  	[sflag:s18] =	ssyncset.done $0x0  }
0x53: {  	[sflag:s18] =	ssyncadd.s32 $0xFFFFA800  }
0x54: {  	[tilespmem:s17], [sflag:$0x2] =	stream.linear.gather [hbm4b:s8+s29], $0x5800, $0x38;
	[tilespmem:$0xB100] =	vst v63  }
0x55: {  	_ =	swait.ge [sflag:s18], $0x5800  }
0x56: {  	[sflag:s18] =	ssyncset.done $0x0  }
0x57: {  	[sflag:s18] =	ssyncadd.s32 $0xFFFFA800  }
0x58: {  	[spmem:s9] =	stream.linear.scatter [tilespmem:s17], [sflag:$0x2], $0x5800, $0x38;
	[tilespmem:$0xB100] =	vst v63  }
0x59: {  	_ =	swait.ge [sflag:s18], $0x5800  }
0x5a: {  	[sflag:s18] =	ssyncset.done $0x0  }
0x5b: {  	[sflag:s18] =	ssyncadd.s32 $0xFFFFA800  }
0x5c: {  	s30 =	sadd.s32 $0x0, s16;
	[bflag:$0x0] =	sbarrier.arrive $0xFFFF  }
0x5d: {  	[tilespmem:s2], [sflag:$0x2] =	stream.linear.gather [hbm4b:s30+s2], $0x80, $0x38;
	[tilespmem:$0xB100] =	vst v63  }
0x5e: {  	_ =	swait.ge [sflag:s18], $0x80  }
0x5f: {  	[sflag:s18] =	ssyncset.done $0x0  }
0x60: {  	s31 =	sadd.s32 $0x0, s15;
	[sflag:s18] =	ssyncadd.s32 $0xFFFFFF80  }
0x61: {  	[tilespmem:s19], [sflag:$0x2] =	stream.linear.gather [hbm4b:s31+s2], $0x80, $0x38;
	[tilespmem:$0xB100] =	vst v63  }
0x62: {  	_ =	swait.ge [sflag:s18], $0x80  }
0x63: {  	[sflag:s18] =	ssyncset.done $0x0  }
0x64: {  	[sflag:s18] =	ssyncadd.s32 $0xFFFFFF80  }
0x65: {  	[tilespmem:s17], [sflag:$0x1] =	stream.indirect.gather [hbm4b:s5+s19], $0xB0, s2, s19, $0xb8;
	[tilespmem:$0xB100] =	vst v63  }
0x66: {  	_ =	swait.ge [sflag:s20], $0x5800  }
0x67: {  	[sflag:s20] =	ssyncset.done $0x0  }
0x68: {  	[sflag:s20] =	ssyncadd.s32 $0xFFFFA800  }
0x69: {  	[spmem:s1] =	stream.indirect.scatter.add.f32 [tilespmem:s17], [sflag:$0x2], $0xB0, s19, s19, $0xb8;
	[tilespmem:$0xB100] =	vst v63  }
0x6a: {  	_ =	swait.ge [sflag:s18], $0x5800  }
0x6b: {  	s22 =	simm.s32 $0x10;
	s23 =	simm.s32 $0x20;
	[sflag:s18] =	ssyncset.done $0x0  }
.LBB2_4:
0x6c: {  	s24 =	sadd.s32 s22, s16  }
0x6d: {  	[sflag:s18] =	ssyncadd.s32 $0xFFFFA800;
	s25 =	smov.u32 s23;
	s26 =	sadd.s32 $0x10, s23  }
0x6e: {  	[tilespmem:s2], [sflag:$0x2] =	stream.linear.gather [hbm4b:s24+s2], $0x80, $0x38;
	[tilespmem:$0xB100] =	vst v63  }
0x6f: {  	p0 =	sne.s32 s23, $0xF0;
	_ =	swait.ge [sflag:s18], $0x80  }
0x70: {  	[sflag:s18] =	ssyncset.done $0x0  }
0x71: {  	s23 =	sadd.s32 s22, s15;
	s22 =	smov.u32 s25;
	[sflag:s18] =	ssyncadd.s32 $0xFFFFFF80  }
0x72: {  	[tilespmem:s19], [sflag:$0x2] =	stream.linear.gather [hbm4b:s23+s2], $0x80, $0x38;
	[tilespmem:$0xB100] =	vst v63  }
0x73: {  	_ =	swait.ge [sflag:s18], $0x80  }
0x74: {  	[sflag:s18] =	ssyncset.done $0x0  }
0x75: {  	[sflag:s18] =	ssyncadd.s32 $0xFFFFFF80  }
0x76: {  	[tilespmem:s17], [sflag:$0x1] =	stream.indirect.gather [hbm4b:s5+s19], $0xB0, s2, s19, $0xb8;
	[tilespmem:$0xB100] =	vst v63  }
0x77: {  	_ =	swait.ge [sflag:s20], $0x5800  }
.Ltmp1:
0x78: {  	[sflag:s20] =	ssyncset.done $0x0;
	(pc) =	sbr.rel @p0 .LBB2_4-.Ltmp1, $4  }
0x79: {  	[sflag:s20] =	ssyncadd.s32 $0xFFFFA800  }
0x7a: {  	[spmem:s1] =	stream.indirect.scatter.add.f32 [tilespmem:s17], [sflag:$0x2], $0xB0, s19, s19, $0xb8;
	[tilespmem:$0xB100] =	vst v63  }
0x7b: {  	_ =	swait.ge [sflag:s18], $0x5800  }
0x7c: {  	s23 =	smov.u32 s26;
	[sflag:s18] =	ssyncset.done $0x0  }
0x7d: {  	s23 =	sadd.s32 s22, s16;
	[sflag:s18] =	ssyncadd.s32 $0xFFFFA800  }
0x7e: {  	[tilespmem:s2], [sflag:$0x2] =	stream.linear.gather [hbm4b:s23+s2], $0x80, $0x38;
	[tilespmem:$0xB100] =	vst v63  }
0x7f: {  	_ =	swait.ge [sflag:s18], $0x80  }
0x80: {  	[sflag:s18] =	ssyncset.done $0x0  }
0x81: {  	s28 =	sadd.s32 s22, s15;
	[sflag:s18] =	ssyncadd.s32 $0xFFFFFF80  }
0x82: {  	[tilespmem:s19], [sflag:$0x2] =	stream.linear.gather [hbm4b:s28+s2], $0x80, $0x38;
	[tilespmem:$0xB100] =	vst v63  }
0x83: {  	_ =	swait.ge [sflag:s18], $0x80  }
0x84: {  	[sflag:s18] =	ssyncset.done $0x0  }
0x85: {  	[sflag:s18] =	ssyncadd.s32 $0xFFFFFF80  }
0x86: {  	[tilespmem:s17], [sflag:$0x1] =	stream.indirect.gather [hbm4b:s5+s19], $0xB0, s2, s19, $0xb8;
	[tilespmem:$0xB100] =	vst v63  }
0x87: {  	_ =	swait.ge [sflag:s20], $0x5800  }
0x88: {  	[sflag:s20] =	ssyncset.done $0x0  }
0x89: {  	[sflag:s20] =	ssyncadd.s32 $0xFFFFA800  }
0x8a: {  	[spmem:s1] =	stream.indirect.scatter.add.f32 [tilespmem:s17], [sflag:$0x2], $0xB0, s19, s19, $0xb8;
	[tilespmem:$0xB100] =	vst v63  }
0x8b: {  	_ =	swait.ge [sflag:s18], $0x5800  }
0x8c: {  	[sflag:s18] =	ssyncset.done $0x0  }
0x8d: {  	[sflag:s18] =	ssyncadd.s32 $0xFFFFA800  }
0x8e: {  	[bflag:$0x0] =	sbarrier.arrive $0xFFFF  }
0x8f: {  	[tilespmem:s17], [sflag:$0x2] =	stream.linear.gather [spmem:s9], $0x5800, $0x38;
	[tilespmem:$0xB100] =	vst v63  }
0x90: {  	_ =	swait.ge [sflag:s18], $0x5800  }
0x91: {  	[sflag:s18] =	ssyncset.done $0x0  }
0x92: {  	s29 =	simm.s32 $0x0;
	[sflag:s18] =	ssyncadd.s32 $0xFFFFA800  }
0x93: {  	[hbm4b:s11+s29] =	stream.linear.scatter [tilespmem:s17], [sflag:$0x2], $0x5800, $0x38;
	[tilespmem:$0xB100] =	vst v63  }
0x94: {  	_ =	swait.ge [sflag:s18], $0x5800  }
0x95: {  	[sflag:s18] =	ssyncset.done $0x0  }
0x96: {  	[sflag:s18] =	ssyncadd.s32 $0xFFFFA800  }
0x97: {  	[tilespmem:s17], [sflag:$0x2] =	stream.linear.gather [hbm4b:s8+s29], $0x5800, $0x38;
	[tilespmem:$0xB100] =	vst v63  }
0x98: {  	_ =	swait.ge [sflag:s18], $0x5800  }
0x99: {  	[sflag:s18] =	ssyncset.done $0x0  }
0x9a: {  	[sflag:s18] =	ssyncadd.s32 $0xFFFFA800  }
0x9b: {  	[spmem:s9] =	stream.linear.scatter [tilespmem:s17], [sflag:$0x2], $0x5800, $0x38;
	[tilespmem:$0xB100] =	vst v63  }
0x9c: {  	_ =	swait.ge [sflag:s18], $0x5800  }
0x9d: {  	[sflag:s18] =	ssyncset.done $0x0  }
0x9e: {  	[sflag:s18] =	ssyncadd.s32 $0xFFFFA800  }
0x9f: {  	s30 =	sadd.s32 $0x0, s16;
	[bflag:$0x0] =	sbarrier.arrive $0xFFFF  }
0xa0: {  	[tilespmem:s2], [sflag:$0x2] =	stream.linear.gather [hbm4b:s30+s2], $0x80, $0x38;
	[tilespmem:$0xB100] =	vst v63  }
0xa1: {  	_ =	swait.ge [sflag:s18], $0x80  }
0xa2: {  	[sflag:s18] =	ssyncset.done $0x0  }
0xa3: {  	s31 =	sadd.s32 $0x0, s15;
	[sflag:s18] =	ssyncadd.s32 $0xFFFFFF80  }
0xa4: {  	[tilespmem:s19], [sflag:$0x2] =	stream.linear.gather [hbm4b:s31+s2], $0x80, $0x38;
	[tilespmem:$0xB100] =	vst v63  }
0xa5: {  	_ =	swait.ge [sflag:s18], $0x80  }
0xa6: {  	[sflag:s18] =	ssyncset.done $0x0  }
0xa7: {  	[sflag:s18] =	ssyncadd.s32 $0xFFFFFF80  }
0xa8: {  	[tilespmem:s17], [sflag:$0x1] =	stream.indirect.gather [hbm4b:s6+s19], $0xB0, s2, s19, $0xb8;
	[tilespmem:$0xB100] =	vst v63  }
0xa9: {  	_ =	swait.ge [sflag:s20], $0x5800  }
0xaa: {  	[sflag:s20] =	ssyncset.done $0x0  }
0xab: {  	[sflag:s20] =	ssyncadd.s32 $0xFFFFA800  }
0xac: {  	[spmem:s1] =	stream.indirect.scatter.add.f32 [tilespmem:s17], [sflag:$0x2], $0xB0, s19, s19, $0xb8;
	[tilespmem:$0xB100] =	vst v63  }
0xad: {  	_ =	swait.ge [sflag:s18], $0x5800  }
0xae: {  	s22 =	simm.s32 $0x10;
	s23 =	simm.s32 $0x20;
	[sflag:s18] =	ssyncset.done $0x0  }
.LBB2_6:
0xaf: {  	s24 =	sadd.s32 s22, s16  }
0xb0: {  	[sflag:s18] =	ssyncadd.s32 $0xFFFFA800;
	s25 =	smov.u32 s23;
	s26 =	sadd.s32 $0x10, s23  }
0xb1: {  	[tilespmem:s2], [sflag:$0x2] =	stream.linear.gather [hbm4b:s24+s2], $0x80, $0x38;
	[tilespmem:$0xB100] =	vst v63  }
0xb2: {  	p0 =	sne.s32 s23, $0xF0;
	_ =	swait.ge [sflag:s18], $0x80  }
0xb3: {  	[sflag:s18] =	ssyncset.done $0x0  }
0xb4: {  	s23 =	sadd.s32 s22, s15;
	s22 =	smov.u32 s25;
	[sflag:s18] =	ssyncadd.s32 $0xFFFFFF80  }
0xb5: {  	[tilespmem:s19], [sflag:$0x2] =	stream.linear.gather [hbm4b:s23+s2], $0x80, $0x38;
	[tilespmem:$0xB100] =	vst v63  }
0xb6: {  	_ =	swait.ge [sflag:s18], $0x80  }
0xb7: {  	[sflag:s18] =	ssyncset.done $0x0  }
0xb8: {  	[sflag:s18] =	ssyncadd.s32 $0xFFFFFF80  }
0xb9: {  	[tilespmem:s17], [sflag:$0x1] =	stream.indirect.gather [hbm4b:s6+s19], $0xB0, s2, s19, $0xb8;
	[tilespmem:$0xB100] =	vst v63  }
0xba: {  	_ =	swait.ge [sflag:s20], $0x5800  }
.Ltmp2:
0xbb: {  	[sflag:s20] =	ssyncset.done $0x0;
	(pc) =	sbr.rel @p0 .LBB2_6-.Ltmp2, $4  }
0xbc: {  	[sflag:s20] =	ssyncadd.s32 $0xFFFFA800  }
0xbd: {  	[spmem:s1] =	stream.indirect.scatter.add.f32 [tilespmem:s17], [sflag:$0x2], $0xB0, s19, s19, $0xb8;
	[tilespmem:$0xB100] =	vst v63  }
0xbe: {  	_ =	swait.ge [sflag:s18], $0x5800  }
0xbf: {  	s23 =	smov.u32 s26;
	[sflag:s18] =	ssyncset.done $0x0  }
0xc0: {  	s23 =	sadd.s32 s22, s16;
	[sflag:s18] =	ssyncadd.s32 $0xFFFFA800  }
0xc1: {  	[tilespmem:s2], [sflag:$0x2] =	stream.linear.gather [hbm4b:s23+s2], $0x80, $0x38;
	[tilespmem:$0xB100] =	vst v63  }
0xc2: {  	_ =	swait.ge [sflag:s18], $0x80  }
0xc3: {  	[sflag:s18] =	ssyncset.done $0x0  }
0xc4: {  	s28 =	sadd.s32 s22, s15;
	[sflag:s18] =	ssyncadd.s32 $0xFFFFFF80  }
0xc5: {  	[tilespmem:s19], [sflag:$0x2] =	stream.linear.gather [hbm4b:s28+s2], $0x80, $0x38;
	[tilespmem:$0xB100] =	vst v63  }
0xc6: {  	_ =	swait.ge [sflag:s18], $0x80  }
0xc7: {  	[sflag:s18] =	ssyncset.done $0x0  }
0xc8: {  	[sflag:s18] =	ssyncadd.s32 $0xFFFFFF80  }
0xc9: {  	[tilespmem:s17], [sflag:$0x1] =	stream.indirect.gather [hbm4b:s6+s19], $0xB0, s2, s19, $0xb8;
	[tilespmem:$0xB100] =	vst v63  }
0xca: {  	_ =	swait.ge [sflag:s20], $0x5800  }
0xcb: {  	[sflag:s20] =	ssyncset.done $0x0  }
0xcc: {  	[sflag:s20] =	ssyncadd.s32 $0xFFFFA800  }
0xcd: {  	[spmem:s1] =	stream.indirect.scatter.add.f32 [tilespmem:s17], [sflag:$0x2], $0xB0, s19, s19, $0xb8;
	[tilespmem:$0xB100] =	vst v63  }
0xce: {  	_ =	swait.ge [sflag:s18], $0x5800  }
0xcf: {  	[sflag:s18] =	ssyncset.done $0x0  }
0xd0: {  	[sflag:s18] =	ssyncadd.s32 $0xFFFFA800  }
0xd1: {  	[bflag:$0x0] =	sbarrier.arrive $0xFFFF  }
0xd2: {  	[tilespmem:s17], [sflag:$0x2] =	stream.linear.gather [spmem:s9], $0x5800, $0x38;
	[tilespmem:$0xB100] =	vst v63  }
0xd3: {  	_ =	swait.ge [sflag:s18], $0x5800  }
0xd4: {  	[sflag:s18] =	ssyncset.done $0x0  }
0xd5: {  	s29 =	simm.s32 $0x0;
	[sflag:s18] =	ssyncadd.s32 $0xFFFFA800  }
0xd6: {  	[hbm4b:s12+s29] =	stream.linear.scatter [tilespmem:s17], [sflag:$0x2], $0x5800, $0x38;
	[tilespmem:$0xB100] =	vst v63  }
0xd7: {  	_ =	swait.ge [sflag:s18], $0x5800  }
0xd8: {  	[sflag:s18] =	ssyncset.done $0x0  }
0xd9: {  	[sflag:s18] =	ssyncadd.s32 $0xFFFFA800  }
0xda: {  	[tilespmem:s17], [sflag:$0x2] =	stream.linear.gather [hbm4b:s8+s29], $0x5800, $0x38;
	[tilespmem:$0xB100] =	vst v63  }
0xdb: {  	_ =	swait.ge [sflag:s18], $0x5800  }
0xdc: {  	[sflag:s18] =	ssyncset.done $0x0  }
0xdd: {  	[sflag:s18] =	ssyncadd.s32 $0xFFFFA800  }
0xde: {  	[spmem:s9] =	stream.linear.scatter [tilespmem:s17], [sflag:$0x2], $0x5800, $0x38;
	[tilespmem:$0xB100] =	vst v63  }
0xdf: {  	_ =	swait.ge [sflag:s18], $0x5800  }
0xe0: {  	[sflag:s18] =	ssyncset.done $0x0  }
0xe1: {  	[sflag:s18] =	ssyncadd.s32 $0xFFFFA800  }
0xe2: {  	s30 =	sadd.s32 $0x0, s16;
	[bflag:$0x0] =	sbarrier.arrive $0xFFFF  }
0xe3: {  	[tilespmem:s2], [sflag:$0x2] =	stream.linear.gather [hbm4b:s30+s2], $0x80, $0x38;
	[tilespmem:$0xB100] =	vst v63  }
0xe4: {  	_ =	swait.ge [sflag:s18], $0x80  }
0xe5: {  	[sflag:s18] =	ssyncset.done $0x0  }
0xe6: {  	s31 =	sadd.s32 $0x0, s15;
	[sflag:s18] =	ssyncadd.s32 $0xFFFFFF80  }
0xe7: {  	[tilespmem:s19], [sflag:$0x2] =	stream.linear.gather [hbm4b:s31+s2], $0x80, $0x38;
	[tilespmem:$0xB100] =	vst v63  }
0xe8: {  	_ =	swait.ge [sflag:s18], $0x80  }
0xe9: {  	[sflag:s18] =	ssyncset.done $0x0  }
0xea: {  	[sflag:s18] =	ssyncadd.s32 $0xFFFFFF80  }
0xeb: {  	[tilespmem:s17], [sflag:$0x1] =	stream.indirect.gather [hbm4b:s7+s19], $0xB0, s2, s19, $0xb8;
	[tilespmem:$0xB100] =	vst v63  }
0xec: {  	_ =	swait.ge [sflag:s20], $0x5800  }
0xed: {  	[sflag:s20] =	ssyncset.done $0x0  }
0xee: {  	[sflag:s20] =	ssyncadd.s32 $0xFFFFA800  }
0xef: {  	[spmem:s1] =	stream.indirect.scatter.add.f32 [tilespmem:s17], [sflag:$0x2], $0xB0, s19, s19, $0xb8;
	[tilespmem:$0xB100] =	vst v63  }
0xf0: {  	_ =	swait.ge [sflag:s18], $0x5800  }
0xf1: {  	s22 =	simm.s32 $0x10;
	s23 =	simm.s32 $0x20;
	[sflag:s18] =	ssyncset.done $0x0  }
.LBB2_8:
0xf2: {  	s24 =	sadd.s32 s22, s16  }
0xf3: {  	[sflag:s18] =	ssyncadd.s32 $0xFFFFA800;
	s25 =	smov.u32 s23;
	s26 =	sadd.s32 $0x10, s23  }
0xf4: {  	[tilespmem:s2], [sflag:$0x2] =	stream.linear.gather [hbm4b:s24+s2], $0x80, $0x38;
	[tilespmem:$0xB100] =	vst v63  }
0xf5: {  	p0 =	sne.s32 s23, $0xF0;
	_ =	swait.ge [sflag:s18], $0x80  }
0xf6: {  	[sflag:s18] =	ssyncset.done $0x0  }
0xf7: {  	s23 =	sadd.s32 s22, s15;
	s22 =	smov.u32 s25;
	[sflag:s18] =	ssyncadd.s32 $0xFFFFFF80  }
0xf8: {  	[tilespmem:s19], [sflag:$0x2] =	stream.linear.gather [hbm4b:s23+s2], $0x80, $0x38;
	[tilespmem:$0xB100] =	vst v63  }
0xf9: {  	_ =	swait.ge [sflag:s18], $0x80  }
0xfa: {  	[sflag:s18] =	ssyncset.done $0x0  }
0xfb: {  	[sflag:s18] =	ssyncadd.s32 $0xFFFFFF80  }
0xfc: {  	[tilespmem:s17], [sflag:$0x1] =	stream.indirect.gather [hbm4b:s7+s19], $0xB0, s2, s19, $0xb8;
	[tilespmem:$0xB100] =	vst v63  }
0xfd: {  	_ =	swait.ge [sflag:s20], $0x5800  }
.Ltmp3:
0xfe: {  	[sflag:s20] =	ssyncset.done $0x0;
	(pc) =	sbr.rel @p0 .LBB2_8-.Ltmp3, $4  }
0xff: {  	[sflag:s20] =	ssyncadd.s32 $0xFFFFA800  }
0x100: {  	[spmem:s1] =	stream.indirect.scatter.add.f32 [tilespmem:s17], [sflag:$0x2], $0xB0, s19, s19, $0xb8;
	[tilespmem:$0xB100] =	vst v63  }
0x101: {  	_ =	swait.ge [sflag:s18], $0x5800  }
0x102: {  	s23 =	smov.u32 s26;
	[sflag:s18] =	ssyncset.done $0x0  }
0x103: {  	s23 =	sadd.s32 s22, s16;
	[sflag:s18] =	ssyncadd.s32 $0xFFFFA800  }
0x104: {  	[tilespmem:s2], [sflag:$0x2] =	stream.linear.gather [hbm4b:s23+s2], $0x80, $0x38;
	[tilespmem:$0xB100] =	vst v63  }
0x105: {  	_ =	swait.ge [sflag:s18], $0x80  }
0x106: {  	[sflag:s18] =	ssyncset.done $0x0  }
0x107: {  	s31 =	sadd.s32 s22, s15;
	[sflag:s18] =	ssyncadd.s32 $0xFFFFFF80  }
0x108: {  	[tilespmem:s19], [sflag:$0x2] =	stream.linear.gather [hbm4b:s31+s2], $0x80, $0x38;
	[tilespmem:$0xB100] =	vst v63  }
0x109: {  	_ =	swait.ge [sflag:s18], $0x80  }
0x10a: {  	[sflag:s18] =	ssyncset.done $0x0  }
0x10b: {  	[sflag:s18] =	ssyncadd.s32 $0xFFFFFF80  }
0x10c: {  	[tilespmem:s17], [sflag:$0x1] =	stream.indirect.gather [hbm4b:s7+s19], $0xB0, s2, s19, $0xb8;
	[tilespmem:$0xB100] =	vst v63  }
0x10d: {  	_ =	swait.ge [sflag:s20], $0x5800  }
0x10e: {  	[sflag:s20] =	ssyncset.done $0x0  }
0x10f: {  	[sflag:s20] =	ssyncadd.s32 $0xFFFFA800  }
0x110: {  	[spmem:s1] =	stream.indirect.scatter.add.f32 [tilespmem:s17], [sflag:$0x2], $0xB0, s19, s19, $0xb8;
	[tilespmem:$0xB100] =	vst v63  }
0x111: {  	_ =	swait.ge [sflag:s18], $0x5800  }
0x112: {  	[sflag:s18] =	ssyncset.done $0x0  }
0x113: {  	[sflag:s18] =	ssyncadd.s32 $0xFFFFA800  }
0x114: {  	[bflag:$0x0] =	sbarrier.arrive $0xFFFF  }
0x115: {  	[tilespmem:s17], [sflag:$0x2] =	stream.linear.gather [spmem:s9], $0x5800, $0x38;
	[tilespmem:$0xB100] =	vst v63  }
0x116: {  	s21 =	sadd.s32 $0x1, s21;
	_ =	swait.ge [sflag:s18], $0x5800  }
0x117: {  	p0 =	sne.s32 s21, s14;
	[sflag:s18] =	ssyncset.done $0x0  }
.Ltmp4:
0x118: {  	[sflag:s18] =	ssyncadd.s32 $0xFFFFA800;
	(pc) =	sbr.rel @p0 .LBB2_1-.Ltmp4, $4  }
0x119: {  	[hbm4b:s13+s2] =	stream.linear.scatter [tilespmem:s17], [sflag:$0x2], $0x5800, $0x38;
	[tilespmem:$0xB100] =	vst v63  }
0x11a: {  	_ =	swait.ge [sflag:s18], $0x5800  }
0x11b: {  	[sflag:s18] =	ssyncset.done $0x0  }
0x11c: {  	[sflag:s18] =	ssyncadd.s32 $0xFFFFA800  }
0x11d: {  	_ =	sfence.sel $0x180000  }
0x11e: {  	[bflag:$0x0] =	sbarrier.arrive $0xFFFF  }
0x11f: {  	p0 =	sne.s32 s3, $0x0;
	_ =	strace $0x90000047  }
0x120: {  	s0 =	sadd.s32 @!p0 $0x100000, s0;
	[bflag:$0x2] =	sbarrier.arrive $0xFFFF  }
0x121: {  	[sflag:s0] =	ssyncadd.tile.s32 @!p0 $0x1;
	_ =	shalt  }
.Lfunc_end2:
_tile_overlayer_lowered:
.L_overlay_start_2:
0x122: {  	(tag) =	ssettag $0x2  }
0x123: {  	s0 =	rddreg [dreg:$0x0];
	s2 =	stileid.u32  }
0x124: {  	s1 =	rddreg [dreg:$0x1];
	p0 =	sne.s32 s2, $0x0  }
0x125: {  	s3 =	rddreg [dreg:$0x2];
	[bflag:$0x3] =	sbarrier.arrive $0xFFFF;
	s2 =	simm.s32 @!p0 $0x1C02  }
0x126: {  	[timem:s3], [sflag:s2] =	dma.local @!p0 [hbm:s0], s1  }
0x127: {  	s0 =	simm.s32 @!p0 $0x2  }
0x128: {  	_ =	swait.ge @!p0 [sflag:s0], s1  }
0x129: {  	s1 =	ssub.s32 @!p0 $0x0, s1;
	[sflag:s0] =	ssyncset.done @!p0 $0x0  }
0x12a: {  	[sflag:s0] =	ssyncadd.s32 @!p0 s1  }
0x12b: {  	[bflag:$0x3] =	sbarrier.arrive $0xFFFF  }
0x12c: {  	_ =	shalt  }

</sc_bundles>
